<compile_context>
chip_gen: v7x
topology: tpu7x:2x2x1
jax: 0.10.2.dev20260603
libtpu: 0.0.44.dev20260713+nightly
codegen_flags: <defaults>
</compile_context>

<pallas_src>
import functools

import jax
import jax.numpy as jnp
from jax import lax
from jax.experimental import pallas as pl
from jax.experimental.pallas import tpu as pltpu
from jax.experimental.pallas import tpu_sc as plsc

EMBED = 16
NBUF = 3

_info = plsc.get_sparse_core_info()
_NC, _NS = _info.num_cores, _info.num_subcores
_NW = _NC * _NS


@functools.partial(jax.jit, static_argnames=("n_rows", "chunk"))
def _gather_sc(idx, table, n_rows, chunk):
    b_per_w = n_rows // _NW
    n_chunks = b_per_w // chunk
    assert n_chunks >= NBUF + 2
    n_mid_groups = (n_chunks - NBUF) // NBUF
    tail = list(range(NBUF + n_mid_groups * NBUF, n_chunks))
    mesh = plsc.VectorSubcoreMesh(core_axis_name="c", subcore_axis_name="s")

    @functools.partial(
        pl.kernel,
        mesh=mesh,
        out_type=jax.ShapeDtypeStruct((n_rows, EMBED), jnp.float32),
        compiler_params=pltpu.CompilerParams(use_tc_tiling_on_sc=False),
        scratch_types=[
            pltpu.VMEM((NBUF, chunk), jnp.int32),
            pltpu.VMEM((NBUF, chunk, EMBED), jnp.float32),
        ]
        + [pltpu.SemaphoreType.DMA] * (3 * NBUF),
    )
    def k(idx_hbm, table_hbm, out_hbm, idx_v, rows_v, *sems):
        si = sems[0:NBUF]
        sg = sems[NBUF : 2 * NBUF]
        so = sems[2 * NBUF : 3 * NBUF]
        wid = lax.axis_index("s") * _NC + lax.axis_index("c")
        w_base = wid * b_per_w

        def start_idx(j, b):
            pltpu.async_copy(
                idx_hbm.at[pl.ds(w_base + j * chunk, chunk)], idx_v.at[b], si[b]
            )

        def wait_idx(j, b):
            pltpu.make_async_copy(
                idx_hbm.at[pl.ds(w_base + j * chunk, chunk)], idx_v.at[b], si[b]
            ).wait()

        def start_gather(b):
            pltpu.async_copy(table_hbm.at[idx_v.at[b]], rows_v.at[b], sg[b])

        def wait_gather(b):
            pltpu.make_async_copy(
                table_hbm.at[idx_v.at[b]], rows_v.at[b], sg[b]
            ).wait()

        def start_store(j, b):
            pltpu.async_copy(
                rows_v.at[b], out_hbm.at[pl.ds(w_base + j * chunk, chunk)], so[b]
            )

        def wait_store(j, b):
            pltpu.make_async_copy(
                rows_v.at[b], out_hbm.at[pl.ds(w_base + j * chunk, chunk)], so[b]
            ).wait()

        def step(j, b, bp, first_round, retire_prev, prefetch):
            wait_idx(j, b)
            if not first_round:
                wait_store(j - NBUF, b)
            start_gather(b)
            if retire_prev:
                wait_gather(bp)
                if prefetch:
                    start_idx(j + NBUF - 1, bp)
                start_store(j - 1, bp)

        for b in range(NBUF):
            start_idx(b, b)
        for j in range(NBUF):
            step(j, j, j - 1, True, j >= 1, j + NBUF - 1 < n_chunks)

        def group(g, carry):
            for b in range(NBUF):
                j = g * NBUF + b
                step(j, b, (b - 1) % NBUF, False, True, True)
            return carry

        lax.fori_loop(1, 1 + n_mid_groups, group, 0)

        for j in tail:
            step(j, j % NBUF, (j - 1) % NBUF, False, True, j + NBUF - 1 < n_chunks)

        last = n_chunks - 1
        wait_gather(last % NBUF)
        start_store(last, last % NBUF)
        for j in range(n_chunks - NBUF, n_chunks):
            wait_store(j, j % NBUF)

    return k(idx, table)


def kernel(data, edge_type_table):
    idx = data.astype(jnp.int32)
    return _gather_sc(idx, edge_type_table, idx.shape[0], 2000)

# --- scband reference (transcript-rebuilt; emitter-appended) ---
"""Pipeline reference for scband-edge-embedding-8272107012481 (READ-ONLY COPY).

The authoritative reference and input builder live on the scoring server;
editing this copy changes nothing except your own understanding.
"""

import jax, jax.numpy as jnp
import numpy as np

EMBED_SIZE = 16
NUM_EDGE_TYPE = 1000000
N_EDGES = 3200000

def setup_inputs(seed: int = 0) -> dict:
    key = jax.random.key(seed)
    k_idx, k_tab = jax.random.split(key)
    data = jax.random.randint(k_idx, (N_EDGES,), 0, NUM_EDGE_TYPE, dtype=jnp.int64 if jax.config.jax_enable_x64 else jnp.int32)
    edge_type_table = jax.random.normal(k_tab, (NUM_EDGE_TYPE, EMBED_SIZE), dtype=jnp.float32)
    return {"data": data, "edge_type_table": edge_type_table}

def reference(data, edge_type_table):
    # EdgeEmbedding.forward with fusion_type='concat'
    idx = data.astype(jnp.int32)
    embedding_list = [jnp.take(edge_type_table, idx, axis=0)]
    # concat fusion over a single-element list (faithful to original code)
    out = jnp.concatenate(embedding_list, axis=-1)
    return out

if __name__ == "__main__":
    import jax
    _d = setup_inputs()
    print(jax.jit(kernel)(*tuple(_d.values())))

</pallas_src>

<mosaic_0001>
#map = affine_map<(d0, d1) -> (0)>
#map1 = affine_map<(d0, d1) -> (0, 0)>
module attributes {stable_mosaic.version = 14 : i64} {
  func.func @k(%arg0: i32, %arg1: i32, %arg2: memref<3200000xi32, #tpu.memory_space<hbm>>, %arg3: memref<1000000x16xf32, #tpu.memory_space<hbm>>, %arg4: memref<3200000x16xf32, #tpu.memory_space<hbm>>, %arg5: memref<3x2000xi32, #tpu.memory_space<vmem>>, %arg6: memref<3x2000x16xf32, #tpu.memory_space<vmem>>, %arg7: memref<!tpu.dma_semaphore, #tpu.memory_space<semaphore_mem>>, %arg8: memref<!tpu.dma_semaphore, #tpu.memory_space<semaphore_mem>>, %arg9: memref<!tpu.dma_semaphore, #tpu.memory_space<semaphore_mem>>, %arg10: memref<!tpu.dma_semaphore, #tpu.memory_space<semaphore_mem>>, %arg11: memref<!tpu.dma_semaphore, #tpu.memory_space<semaphore_mem>>, %arg12: memref<!tpu.dma_semaphore, #tpu.memory_space<semaphore_mem>>, %arg13: memref<!tpu.dma_semaphore, #tpu.memory_space<semaphore_mem>>, %arg14: memref<!tpu.dma_semaphore, #tpu.memory_space<semaphore_mem>>, %arg15: memref<!tpu.dma_semaphore, #tpu.memory_space<semaphore_mem>>) attributes {dimension_semantics = [#tpu.dimension_semantics<core_parallel>, #tpu.dimension_semantics<subcore_parallel>], iteration_bounds = array<i64: 2, 16>, scalar_prefetch = 0 : i64, scratch_operands = 11 : i64, tpu.core_type = #tpu.core_type<sc_vector_subcore>, window_params = [{transform_indices = #map}, {transform_indices = #map1}, {transform_indices = #map1}]} {
    %mul3A = arith.constant 2 : i32
    %mul3A_0 = arith.muli %arg1, %mul3A : i32
    %add3A = arith.addi %mul3A_0, %arg0 : i32
    %mul3A_1 = arith.constant 100000 : i32
    %mul3A_2 = arith.muli %add3A, %mul3A_1 : i32
    %add3A_3 = arith.constant 0 : i32
    %add3A_4 = arith.addi %mul3A_2, %add3A_3 : i32
    %dma_start3A = arith.constant 0 : i32
    %dma_start3A_5 = arith.constant 0 : i32
    %dma_start3A_6 = tpu.memref_slice %arg5[%dma_start3A, %dma_start3A_5] : memref<3x2000xi32, #tpu.memory_space<vmem>> -> memref<1x2000xi32, #tpu.memory_space<vmem>>
    %dma_start3A_7 = tpu.memref_squeeze %dma_start3A_6 : memref<1x2000xi32, #tpu.memory_space<vmem>> -> memref<2000xi32, #tpu.memory_space<vmem>>
    %dma_start3A_8 = tpu.memref_slice %arg2[%add3A_4] : memref<3200000xi32, #tpu.memory_space<hbm>> -> memref<2000xi32, #tpu.memory_space<hbm>>
    %dma_start3A_9 = arith.constant 0 : i32
    %dma_start3A_10 = tpu.memref_slice %arg5[%dma_start3A, %dma_start3A_9] : memref<3x2000xi32, #tpu.memory_space<vmem>> -> memref<1x2000xi32, #tpu.memory_space<vmem>>
    %dma_start3A_11 = tpu.memref_squeeze %dma_start3A_10 : memref<1x2000xi32, #tpu.memory_space<vmem>> -> memref<2000xi32, #tpu.memory_space<vmem>>
    %dma_start3A_12 = tpu.memref_slice %arg2[%add3A_4] : memref<3200000xi32, #tpu.memory_space<hbm>> -> memref<2000xi32, #tpu.memory_space<hbm>>
    tpu.enqueue_dma source(%dma_start3A_12 : memref<2000xi32, #tpu.memory_space<hbm>>) target(%dma_start3A_11 : memref<2000xi32, #tpu.memory_space<vmem>>) target_semaphore(%arg7 : memref<!tpu.dma_semaphore, #tpu.memory_space<semaphore_mem>>)
    %add3A_13 = arith.constant 2000 : i32
    %add3A_14 = arith.addi %mul3A_2, %add3A_13 : i32
    %dma_start3A_15 = arith.constant 1 : i32
    %dma_start3A_16 = arith.constant 0 : i32
    %dma_start3A_17 = tpu.memref_slice %arg5[%dma_start3A_15, %dma_start3A_16] : memref<3x2000xi32, #tpu.memory_space<vmem>> -> memref<1x2000xi32, #tpu.memory_space<vmem>>
    %dma_start3A_18 = tpu.memref_squeeze %dma_start3A_17 : memref<1x2000xi32, #tpu.memory_space<vmem>> -> memref<2000xi32, #tpu.memory_space<vmem>>
    %dma_start3A_19 = tpu.memref_slice %arg2[%add3A_14] : memref<3200000xi32, #tpu.memory_space<hbm>> -> memref<2000xi32, #tpu.memory_space<hbm>>
    %dma_start3A_20 = arith.constant 0 : i32
    %dma_start3A_21 = tpu.memref_slice %arg5[%dma_start3A_15, %dma_start3A_20] : memref<3x2000xi32, #tpu.memory_space<vmem>> -> memref<1x2000xi32, #tpu.memory_space<vmem>>
    %dma_start3A_22 = tpu.memref_squeeze %dma_start3A_21 : memref<1x2000xi32, #tpu.memory_space<vmem>> -> memref<2000xi32, #tpu.memory_space<vmem>>
    %dma_start3A_23 = tpu.memref_slice %arg2[%add3A_14] : memref<3200000xi32, #tpu.memory_space<hbm>> -> memref<2000xi32, #tpu.memory_space<hbm>>
    tpu.enqueue_dma source(%dma_start3A_23 : memref<2000xi32, #tpu.memory_space<hbm>>) target(%dma_start3A_22 : memref<2000xi32, #tpu.memory_space<vmem>>) target_semaphore(%arg8 : memref<!tpu.dma_semaphore, #tpu.memory_space<semaphore_mem>>)
    %add3A_24 = arith.constant 4000 : i32
    %add3A_25 = arith.addi %mul3A_2, %add3A_24 : i32
    %dma_start3A_26 = arith.constant 2 : i32
    %dma_start3A_27 = arith.constant 0 : i32
    %dma_start3A_28 = tpu.memref_slice %arg5[%dma_start3A_26, %dma_start3A_27] : memref<3x2000xi32, #tpu.memory_space<vmem>> -> memref<1x2000xi32, #tpu.memory_space<vmem>>
    %dma_start3A_29 = tpu.memref_squeeze %dma_start3A_28 : memref<1x2000xi32, #tpu.memory_space<vmem>> -> memref<2000xi32, #tpu.memory_space<vmem>>
    %dma_start3A_30 = tpu.memref_slice %arg2[%add3A_25] : memref<3200000xi32, #tpu.memory_space<hbm>> -> memref<2000xi32, #tpu.memory_space<hbm>>
    %dma_start3A_31 = arith.constant 0 : i32
    %dma_start3A_32 = tpu.memref_slice %arg5[%dma_start3A_26, %dma_start3A_31] : memref<3x2000xi32, #tpu.memory_space<vmem>> -> memref<1x2000xi32, #tpu.memory_space<vmem>>
    %dma_start3A_33 = tpu.memref_squeeze %dma_start3A_32 : memref<1x2000xi32, #tpu.memory_space<vmem>> -> memref<2000xi32, #tpu.memory_space<vmem>>
    %dma_start3A_34 = tpu.memref_slice %arg2[%add3A_25] : memref<3200000xi32, #tpu.memory_space<hbm>> -> memref<2000xi32, #tpu.memory_space<hbm>>
    tpu.enqueue_dma source(%dma_start3A_34 : memref<2000xi32, #tpu.memory_space<hbm>>) target(%dma_start3A_33 : memref<2000xi32, #tpu.memory_space<vmem>>) target_semaphore(%arg9 : memref<!tpu.dma_semaphore, #tpu.memory_space<semaphore_mem>>)
    %add3A_35 = arith.constant 0 : i32
    %add3A_36 = arith.addi %mul3A_2, %add3A_35 : i32
    %dma_wait3A = arith.constant 0 : i32
    %dma_wait3A_37 = arith.constant 0 : i32
    %dma_wait3A_38 = tpu.memref_slice %arg5[%dma_wait3A, %dma_wait3A_37] : memref<3x2000xi32, #tpu.memory_space<vmem>> -> memref<1x2000xi32, #tpu.memory_space<vmem>>
    %dma_wait3A_39 = tpu.memref_squeeze %dma_wait3A_38 : memref<1x2000xi32, #tpu.memory_space<vmem>> -> memref<2000xi32, #tpu.memory_space<vmem>>
    %dma_wait3A_40 = tpu.memref_slice %arg2[%add3A_36] : memref<3200000xi32, #tpu.memory_space<hbm>> -> memref<2000xi32, #tpu.memory_space<hbm>>
    %dma_wait3A_41 = arith.constant 0 : i32
    %dma_wait3A_42 = tpu.memref_slice %arg5[%dma_wait3A, %dma_wait3A_41] : memref<3x2000xi32, #tpu.memory_space<vmem>> -> memref<1x2000xi32, #tpu.memory_space<vmem>>
    %dma_wait3A_43 = tpu.memref_squeeze %dma_wait3A_42 : memref<1x2000xi32, #tpu.memory_space<vmem>> -> memref<2000xi32, #tpu.memory_space<vmem>>
    %dma_wait3A_44 = tpu.memref_slice %arg2[%add3A_36] : memref<3200000xi32, #tpu.memory_space<hbm>> -> memref<2000xi32, #tpu.memory_space<hbm>>
    tpu.wait_dma2 semaphore(%arg7 : memref<!tpu.dma_semaphore, #tpu.memory_space<semaphore_mem>>) src(%dma_wait3A_44 : memref<2000xi32, #tpu.memory_space<hbm>>) dst(%dma_wait3A_43 : memref<2000xi32, #tpu.memory_space<vmem>>)
    %dma_start3A_45 = arith.constant 0 : i32
    %dma_start3A_46 = arith.constant 0 : i32
    %dma_start3A_47 = arith.constant 0 : i32
    %dma_start3A_48 = arith.constant 0 : i32
    %dma_start3A_49 = tpu.memref_slice %arg6[%dma_start3A_46, %dma_start3A_47, %dma_start3A_48] : memref<3x2000x16xf32, #tpu.memory_space<vmem>> -> memref<1x2000x16xf32, #tpu.memory_space<vmem>>
    %dma_start3A_50 = tpu.memref_squeeze %dma_start3A_49 : memref<1x2000x16xf32, #tpu.memory_space<vmem>> -> memref<2000x16xf32, #tpu.memory_space<vmem>>
    %dma_start3A_51 = arith.constant 0 : i32
    %dma_start3A_52 = tpu.memref_slice %arg5[%dma_start3A_45, %dma_start3A_51] : memref<3x2000xi32, #tpu.memory_space<vmem>> -> memref<1x2000xi32, #tpu.memory_space<vmem>>
    %dma_start3A_53 = tpu.memref_squeeze %dma_start3A_52 : memref<1x2000xi32, #tpu.memory_space<vmem>> -> memref<2000xi32, #tpu.memory_space<vmem>>
    %dma_start3A_54 = arith.constant 0 : i32
    %dma_start3A_55 = arith.constant 0 : i32
    %dma_start3A_56 = tpu.memref_slice %arg3[%dma_start3A_54, %dma_start3A_55] : memref<1000000x16xf32, #tpu.memory_space<hbm>> -> memref<1000000x16xf32, #tpu.memory_space<hbm>>
    tpu.enqueue_indirect_dma source(%dma_start3A_56 : memref<1000000x16xf32, #tpu.memory_space<hbm>>) target(%dma_start3A_50 : memref<2000x16xf32, #tpu.memory_space<vmem>>) offsets(%dma_start3A_53 : memref<2000xi32, #tpu.memory_space<vmem>>) semaphore(%arg10 : memref<!tpu.dma_semaphore, #tpu.memory_space<semaphore_mem>>)
    %add3A_57 = arith.constant 2000 : i32
    %add3A_58 = arith.addi %mul3A_2, %add3A_57 : i32
    %dma_wait3A_59 = arith.constant 1 : i32
    %dma_wait3A_60 = arith.constant 0 : i32
    %dma_wait3A_61 = tpu.memref_slice %arg5[%dma_wait3A_59, %dma_wait3A_60] : memref<3x2000xi32, #tpu.memory_space<vmem>> -> memref<1x2000xi32, #tpu.memory_space<vmem>>
    %dma_wait3A_62 = tpu.memref_squeeze %dma_wait3A_61 : memref<1x2000xi32, #tpu.memory_space<vmem>> -> memref<2000xi32, #tpu.memory_space<vmem>>
    %dma_wait3A_63 = tpu.memref_slice %arg2[%add3A_58] : memref<3200000xi32, #tpu.memory_space<hbm>> -> memref<2000xi32, #tpu.memory_space<hbm>>
    %dma_wait3A_64 = arith.constant 0 : i32
    %dma_wait3A_65 = tpu.memref_slice %arg5[%dma_wait3A_59, %dma_wait3A_64] : memref<3x2000xi32, #tpu.memory_space<vmem>> -> memref<1x2000xi32, #tpu.memory_space<vmem>>
    %dma_wait3A_66 = tpu.memref_squeeze %dma_wait3A_65 : memref<1x2000xi32, #tpu.memory_space<vmem>> -> memref<2000xi32, #tpu.memory_space<vmem>>
    %dma_wait3A_67 = tpu.memref_slice %arg2[%add3A_58] : memref<3200000xi32, #tpu.memory_space<hbm>> -> memref<2000xi32, #tpu.memory_space<hbm>>
    tpu.wait_dma2 semaphore(%arg8 : memref<!tpu.dma_semaphore, #tpu.memory_space<semaphore_mem>>) src(%dma_wait3A_67 : memref<2000xi32, #tpu.memory_space<hbm>>) dst(%dma_wait3A_66 : memref<2000xi32, #tpu.memory_space<vmem>>)
    %dma_start3A_68 = arith.constant 1 : i32
    %dma_start3A_69 = arith.constant 1 : i32
    %dma_start3A_70 = arith.constant 0 : i32
    %dma_start3A_71 = arith.constant 0 : i32
    %dma_start3A_72 = tpu.memref_slice %arg6[%dma_start3A_69, %dma_start3A_70, %dma_start3A_71] : memref<3x2000x16xf32, #tpu.memory_space<vmem>> -> memref<1x2000x16xf32, #tpu.memory_space<vmem>>
    %dma_start3A_73 = tpu.memref_squeeze %dma_start3A_72 : memref<1x2000x16xf32, #tpu.memory_space<vmem>> -> memref<2000x16xf32, #tpu.memory_space<vmem>>
    %dma_start3A_74 = arith.constant 0 : i32
    %dma_start3A_75 = tpu.memref_slice %arg5[%dma_start3A_68, %dma_start3A_74] : memref<3x2000xi32, #tpu.memory_space<vmem>> -> memref<1x2000xi32, #tpu.memory_space<vmem>>
    %dma_start3A_76 = tpu.memref_squeeze %dma_start3A_75 : memref<1x2000xi32, #tpu.memory_space<vmem>> -> memref<2000xi32, #tpu.memory_space<vmem>>
    %dma_start3A_77 = arith.constant 0 : i32
    %dma_start3A_78 = arith.constant 0 : i32
    %dma_start3A_79 = tpu.memref_slice %arg3[%dma_start3A_77, %dma_start3A_78] : memref<1000000x16xf32, #tpu.memory_space<hbm>> -> memref<1000000x16xf32, #tpu.memory_space<hbm>>
    tpu.enqueue_indirect_dma source(%dma_start3A_79 : memref<1000000x16xf32, #tpu.memory_space<hbm>>) target(%dma_start3A_73 : memref<2000x16xf32, #tpu.memory_space<vmem>>) offsets(%dma_start3A_76 : memref<2000xi32, #tpu.memory_space<vmem>>) semaphore(%arg11 : memref<!tpu.dma_semaphore, #tpu.memory_space<semaphore_mem>>)
    %dma_wait3A_80 = arith.constant 0 : i32
    %dma_wait3A_81 = arith.constant 0 : i32
    %dma_wait3A_82 = arith.constant 0 : i32
    %dma_wait3A_83 = arith.constant 0 : i32
    %dma_wait3A_84 = tpu.memref_slice %arg6[%dma_wait3A_81, %dma_wait3A_82, %dma_wait3A_83] : memref<3x2000x16xf32, #tpu.memory_space<vmem>> -> memref<1x2000x16xf32, #tpu.memory_space<vmem>>
    %dma_wait3A_85 = tpu.memref_squeeze %dma_wait3A_84 : memref<1x2000x16xf32, #tpu.memory_space<vmem>> -> memref<2000x16xf32, #tpu.memory_space<vmem>>
    %dma_wait3A_86 = arith.constant 0 : i32
    %dma_wait3A_87 = tpu.memref_slice %arg5[%dma_wait3A_80, %dma_wait3A_86] : memref<3x2000xi32, #tpu.memory_space<vmem>> -> memref<1x2000xi32, #tpu.memory_space<vmem>>
    %dma_wait3A_88 = tpu.memref_squeeze %dma_wait3A_87 : memref<1x2000xi32, #tpu.memory_space<vmem>> -> memref<2000xi32, #tpu.memory_space<vmem>>
    %dma_wait3A_89 = arith.constant 0 : i32
    %dma_wait3A_90 = arith.constant 0 : i32
    %dma_wait3A_91 = tpu.memref_slice %arg3[%dma_wait3A_89, %dma_wait3A_90] : memref<1000000x16xf32, #tpu.memory_space<hbm>> -> memref<1000000x16xf32, #tpu.memory_space<hbm>>
    tpu.wait_indirect_dma semaphore(%arg10 : memref<!tpu.dma_semaphore, #tpu.memory_space<semaphore_mem>>) src(%dma_wait3A_91 : memref<1000000x16xf32, #tpu.memory_space<hbm>>) dst(%dma_wait3A_85 : memref<2000x16xf32, #tpu.memory_space<vmem>>)
    %add3A_92 = arith.constant 6000 : i32
    %add3A_93 = arith.addi %mul3A_2, %add3A_92 : i32
    %dma_start3A_94 = arith.constant 0 : i32
    %dma_start3A_95 = arith.constant 0 : i32
    %dma_start3A_96 = tpu.memref_slice %arg5[%dma_start3A_94, %dma_start3A_95] : memref<3x2000xi32, #tpu.memory_space<vmem>> -> memref<1x2000xi32, #tpu.memory_space<vmem>>
    %dma_start3A_97 = tpu.memref_squeeze %dma_start3A_96 : memref<1x2000xi32, #tpu.memory_space<vmem>> -> memref<2000xi32, #tpu.memory_space<vmem>>
    %dma_start3A_98 = tpu.memref_slice %arg2[%add3A_93] : memref<3200000xi32, #tpu.memory_space<hbm>> -> memref<2000xi32, #tpu.memory_space<hbm>>
    %dma_start3A_99 = arith.constant 0 : i32
    %dma_start3A_100 = tpu.memref_slice %arg5[%dma_start3A_94, %dma_start3A_99] : memref<3x2000xi32, #tpu.memory_space<vmem>> -> memref<1x2000xi32, #tpu.memory_space<vmem>>
    %dma_start3A_101 = tpu.memref_squeeze %dma_start3A_100 : memref<1x2000xi32, #tpu.memory_space<vmem>> -> memref<2000xi32, #tpu.memory_space<vmem>>
    %dma_start3A_102 = tpu.memref_slice %arg2[%add3A_93] : memref<3200000xi32, #tpu.memory_space<hbm>> -> memref<2000xi32, #tpu.memory_space<hbm>>
    tpu.enqueue_dma source(%dma_start3A_102 : memref<2000xi32, #tpu.memory_space<hbm>>) target(%dma_start3A_101 : memref<2000xi32, #tpu.memory_space<vmem>>) target_semaphore(%arg7 : memref<!tpu.dma_semaphore, #tpu.memory_space<semaphore_mem>>)
    %add3A_103 = arith.constant 0 : i32
    %add3A_104 = arith.addi %mul3A_2, %add3A_103 : i32
    %dma_start3A_105 = arith.constant 0 : i32
    %dma_start3A_106 = arith.constant 0 : i32
    %dma_start3A_107 = arith.constant 0 : i32
    %dma_start3A_108 = tpu.memref_slice %arg6[%dma_start3A_105, %dma_start3A_106, %dma_start3A_107] : memref<3x2000x16xf32, #tpu.memory_space<vmem>> -> memref<1x2000x16xf32, #tpu.memory_space<vmem>>
    %dma_start3A_109 = tpu.memref_squeeze %dma_start3A_108 : memref<1x2000x16xf32, #tpu.memory_space<vmem>> -> memref<2000x16xf32, #tpu.memory_space<vmem>>
    %dma_start3A_110 = arith.constant 0 : i32
    %dma_start3A_111 = tpu.memref_slice %arg4[%add3A_104, %dma_start3A_110] : memref<3200000x16xf32, #tpu.memory_space<hbm>> -> memref<2000x16xf32, #tpu.memory_space<hbm>>
    %dma_start3A_112 = arith.constant 0 : i32
    %dma_start3A_113 = tpu.memref_slice %arg4[%add3A_104, %dma_start3A_112] : memref<3200000x16xf32, #tpu.memory_space<hbm>> -> memref<2000x16xf32, #tpu.memory_space<hbm>>
    %dma_start3A_114 = arith.constant 0 : i32
    %dma_start3A_115 = arith.constant 0 : i32
    %dma_start3A_116 = tpu.memref_slice %arg6[%dma_start3A_105, %dma_start3A_114, %dma_start3A_115] : memref<3x2000x16xf32, #tpu.memory_space<vmem>> -> memref<1x2000x16xf32, #tpu.memory_space<vmem>>
    %dma_start3A_117 = tpu.memref_squeeze %dma_start3A_116 : memref<1x2000x16xf32, #tpu.memory_space<vmem>> -> memref<2000x16xf32, #tpu.memory_space<vmem>>
    tpu.enqueue_dma source(%dma_start3A_117 : memref<2000x16xf32, #tpu.memory_space<vmem>>) target(%dma_start3A_113 : memref<2000x16xf32, #tpu.memory_space<hbm>>) target_semaphore(%arg13 : memref<!tpu.dma_semaphore, #tpu.memory_space<semaphore_mem>>)
    %add3A_118 = arith.constant 4000 : i32
    %add3A_119 = arith.addi %mul3A_2, %add3A_118 : i32
    %dma_wait3A_120 = arith.constant 2 : i32
    %dma_wait3A_121 = arith.constant 0 : i32
    %dma_wait3A_122 = tpu.memref_slice %arg5[%dma_wait3A_120, %dma_wait3A_121] : memref<3x2000xi32, #tpu.memory_space<vmem>> -> memref<1x2000xi32, #tpu.memory_space<vmem>>
    %dma_wait3A_123 = tpu.memref_squeeze %dma_wait3A_122 : memref<1x2000xi32, #tpu.memory_space<vmem>> -> memref<2000xi32, #tpu.memory_space<vmem>>
    %dma_wait3A_124 = tpu.memref_slice %arg2[%add3A_119] : memref<3200000xi32, #tpu.memory_space<hbm>> -> memref<2000xi32, #tpu.memory_space<hbm>>
    %dma_wait3A_125 = arith.constant 0 : i32
    %dma_wait3A_126 = tpu.memref_slice %arg5[%dma_wait3A_120, %dma_wait3A_125] : memref<3x2000xi32, #tpu.memory_space<vmem>> -> memref<1x2000xi32, #tpu.memory_space<vmem>>
    %dma_wait3A_127 = tpu.memref_squeeze %dma_wait3A_126 : memref<1x2000xi32, #tpu.memory_space<vmem>> -> memref<2000xi32, #tpu.memory_space<vmem>>
    %dma_wait3A_128 = tpu.memref_slice %arg2[%add3A_119] : memref<3200000xi32, #tpu.memory_space<hbm>> -> memref<2000xi32, #tpu.memory_space<hbm>>
    tpu.wait_dma2 semaphore(%arg9 : memref<!tpu.dma_semaphore, #tpu.memory_space<semaphore_mem>>) src(%dma_wait3A_128 : memref<2000xi32, #tpu.memory_space<hbm>>) dst(%dma_wait3A_127 : memref<2000xi32, #tpu.memory_space<vmem>>)
    %dma_start3A_129 = arith.constant 2 : i32
    %dma_start3A_130 = arith.constant 2 : i32
    %dma_start3A_131 = arith.constant 0 : i32
    %dma_start3A_132 = arith.constant 0 : i32
    %dma_start3A_133 = tpu.memref_slice %arg6[%dma_start3A_130, %dma_start3A_131, %dma_start3A_132] : memref<3x2000x16xf32, #tpu.memory_space<vmem>> -> memref<1x2000x16xf32, #tpu.memory_space<vmem>>
    %dma_start3A_134 = tpu.memref_squeeze %dma_start3A_133 : memref<1x2000x16xf32, #tpu.memory_space<vmem>> -> memref<2000x16xf32, #tpu.memory_space<vmem>>
    %dma_start3A_135 = arith.constant 0 : i32
    %dma_start3A_136 = tpu.memref_slice %arg5[%dma_start3A_129, %dma_start3A_135] : memref<3x2000xi32, #tpu.memory_space<vmem>> -> memref<1x2000xi32, #tpu.memory_space<vmem>>
    %dma_start3A_137 = tpu.memref_squeeze %dma_start3A_136 : memref<1x2000xi32, #tpu.memory_space<vmem>> -> memref<2000xi32, #tpu.memory_space<vmem>>
    %dma_start3A_138 = arith.constant 0 : i32
    %dma_start3A_139 = arith.constant 0 : i32
    %dma_start3A_140 = tpu.memref_slice %arg3[%dma_start3A_138, %dma_start3A_139] : memref<1000000x16xf32, #tpu.memory_space<hbm>> -> memref<1000000x16xf32, #tpu.memory_space<hbm>>
    tpu.enqueue_indirect_dma source(%dma_start3A_140 : memref<1000000x16xf32, #tpu.memory_space<hbm>>) target(%dma_start3A_134 : memref<2000x16xf32, #tpu.memory_space<vmem>>) offsets(%dma_start3A_137 : memref<2000xi32, #tpu.memory_space<vmem>>) semaphore(%arg12 : memref<!tpu.dma_semaphore, #tpu.memory_space<semaphore_mem>>)
    %dma_wait3A_141 = arith.constant 1 : i32
    %dma_wait3A_142 = arith.constant 1 : i32
    %dma_wait3A_143 = arith.constant 0 : i32
    %dma_wait3A_144 = arith.constant 0 : i32
    %dma_wait3A_145 = tpu.memref_slice %arg6[%dma_wait3A_142, %dma_wait3A_143, %dma_wait3A_144] : memref<3x2000x16xf32, #tpu.memory_space<vmem>> -> memref<1x2000x16xf32, #tpu.memory_space<vmem>>
    %dma_wait3A_146 = tpu.memref_squeeze %dma_wait3A_145 : memref<1x2000x16xf32, #tpu.memory_space<vmem>> -> memref<2000x16xf32, #tpu.memory_space<vmem>>
    %dma_wait3A_147 = arith.constant 0 : i32
    %dma_wait3A_148 = tpu.memref_slice %arg5[%dma_wait3A_141, %dma_wait3A_147] : memref<3x2000xi32, #tpu.memory_space<vmem>> -> memref<1x2000xi32, #tpu.memory_space<vmem>>
    %dma_wait3A_149 = tpu.memref_squeeze %dma_wait3A_148 : memref<1x2000xi32, #tpu.memory_space<vmem>> -> memref<2000xi32, #tpu.memory_space<vmem>>
    %dma_wait3A_150 = arith.constant 0 : i32
    %dma_wait3A_151 = arith.constant 0 : i32
    %dma_wait3A_152 = tpu.memref_slice %arg3[%dma_wait3A_150, %dma_wait3A_151] : memref<1000000x16xf32, #tpu.memory_space<hbm>> -> memref<1000000x16xf32, #tpu.memory_space<hbm>>
    tpu.wait_indirect_dma semaphore(%arg11 : memref<!tpu.dma_semaphore, #tpu.memory_space<semaphore_mem>>) src(%dma_wait3A_152 : memref<1000000x16xf32, #tpu.memory_space<hbm>>) dst(%dma_wait3A_146 : memref<2000x16xf32, #tpu.memory_space<vmem>>)
    %add3A_153 = arith.constant 8000 : i32
    %add3A_154 = arith.addi %mul3A_2, %add3A_153 : i32
    %dma_start3A_155 = arith.constant 1 : i32
    %dma_start3A_156 = arith.constant 0 : i32
    %dma_start3A_157 = tpu.memref_slice %arg5[%dma_start3A_155, %dma_start3A_156] : memref<3x2000xi32, #tpu.memory_space<vmem>> -> memref<1x2000xi32, #tpu.memory_space<vmem>>
    %dma_start3A_158 = tpu.memref_squeeze %dma_start3A_157 : memref<1x2000xi32, #tpu.memory_space<vmem>> -> memref<2000xi32, #tpu.memory_space<vmem>>
    %dma_start3A_159 = tpu.memref_slice %arg2[%add3A_154] : memref<3200000xi32, #tpu.memory_space<hbm>> -> memref<2000xi32, #tpu.memory_space<hbm>>
    %dma_start3A_160 = arith.constant 0 : i32
    %dma_start3A_161 = tpu.memref_slice %arg5[%dma_start3A_155, %dma_start3A_160] : memref<3x2000xi32, #tpu.memory_space<vmem>> -> memref<1x2000xi32, #tpu.memory_space<vmem>>
    %dma_start3A_162 = tpu.memref_squeeze %dma_start3A_161 : memref<1x2000xi32, #tpu.memory_space<vmem>> -> memref<2000xi32, #tpu.memory_space<vmem>>
    %dma_start3A_163 = tpu.memref_slice %arg2[%add3A_154] : memref<3200000xi32, #tpu.memory_space<hbm>> -> memref<2000xi32, #tpu.memory_space<hbm>>
    tpu.enqueue_dma source(%dma_start3A_163 : memref<2000xi32, #tpu.memory_space<hbm>>) target(%dma_start3A_162 : memref<2000xi32, #tpu.memory_space<vmem>>) target_semaphore(%arg8 : memref<!tpu.dma_semaphore, #tpu.memory_space<semaphore_mem>>)
    %add3A_164 = arith.constant 2000 : i32
    %add3A_165 = arith.addi %mul3A_2, %add3A_164 : i32
    %dma_start3A_166 = arith.constant 1 : i32
    %dma_start3A_167 = arith.constant 0 : i32
    %dma_start3A_168 = arith.constant 0 : i32
    %dma_start3A_169 = tpu.memref_slice %arg6[%dma_start3A_166, %dma_start3A_167, %dma_start3A_168] : memref<3x2000x16xf32, #tpu.memory_space<vmem>> -> memref<1x2000x16xf32, #tpu.memory_space<vmem>>
    %dma_start3A_170 = tpu.memref_squeeze %dma_start3A_169 : memref<1x2000x16xf32, #tpu.memory_space<vmem>> -> memref<2000x16xf32, #tpu.memory_space<vmem>>
    %dma_start3A_171 = arith.constant 0 : i32
    %dma_start3A_172 = tpu.memref_slice %arg4[%add3A_165, %dma_start3A_171] : memref<3200000x16xf32, #tpu.memory_space<hbm>> -> memref<2000x16xf32, #tpu.memory_space<hbm>>
    %dma_start3A_173 = arith.constant 0 : i32
    %dma_start3A_174 = tpu.memref_slice %arg4[%add3A_165, %dma_start3A_173] : memref<3200000x16xf32, #tpu.memory_space<hbm>> -> memref<2000x16xf32, #tpu.memory_space<hbm>>
    %dma_start3A_175 = arith.constant 0 : i32
    %dma_start3A_176 = arith.constant 0 : i32
    %dma_start3A_177 = tpu.memref_slice %arg6[%dma_start3A_166, %dma_start3A_175, %dma_start3A_176] : memref<3x2000x16xf32, #tpu.memory_space<vmem>> -> memref<1x2000x16xf32, #tpu.memory_space<vmem>>
    %dma_start3A_178 = tpu.memref_squeeze %dma_start3A_177 : memref<1x2000x16xf32, #tpu.memory_space<vmem>> -> memref<2000x16xf32, #tpu.memory_space<vmem>>
    tpu.enqueue_dma source(%dma_start3A_178 : memref<2000x16xf32, #tpu.memory_space<vmem>>) target(%dma_start3A_174 : memref<2000x16xf32, #tpu.memory_space<hbm>>) target_semaphore(%arg14 : memref<!tpu.dma_semaphore, #tpu.memory_space<semaphore_mem>>)
    %scan3A = arith.constant 0 : i32
    %scan3A_179 = arith.constant 1 : i32
    %scan3A_180 = arith.constant 15 : i32
    %scan3A_181 = arith.addi %scan3A_179, %scan3A_180 : i32
    %scan3A_182 = arith.constant 1 : i32
    scf.for %scan3A_386 = %scan3A_179 to %scan3A_181 step %scan3A_182  : i32 {
      %mul3A_387 = arith.constant 3 : i32
      %mul3A_388 = arith.muli %scan3A_386, %mul3A_387 : i32
      %add3A_389 = arith.constant 0 : i32
      %add3A_390 = arith.addi %mul3A_388, %add3A_389 : i32
      %mul3A_391 = arith.constant 2000 : i32
      %mul3A_392 = arith.muli %add3A_390, %mul3A_391 : i32
      %add3A_393 = arith.addi %mul3A_2, %mul3A_392 : i32
      %dma_wait3A_394 = arith.constant 0 : i32
      %dma_wait3A_395 = arith.constant 0 : i32
      %dma_wait3A_396 = tpu.memref_slice %arg5[%dma_wait3A_394, %dma_wait3A_395] : memref<3x2000xi32, #tpu.memory_space<vmem>> -> memref<1x2000xi32, #tpu.memory_space<vmem>>
      %dma_wait3A_397 = tpu.memref_squeeze %dma_wait3A_396 : memref<1x2000xi32, #tpu.memory_space<vmem>> -> memref<2000xi32, #tpu.memory_space<vmem>>
      %dma_wait3A_398 = tpu.memref_slice %arg2[%add3A_393] : memref<3200000xi32, #tpu.memory_space<hbm>> -> memref<2000xi32, #tpu.memory_space<hbm>>
      %dma_wait3A_399 = arith.constant 0 : i32
      %dma_wait3A_400 = tpu.memref_slice %arg5[%dma_wait3A_394, %dma_wait3A_399] : memref<3x2000xi32, #tpu.memory_space<vmem>> -> memref<1x2000xi32, #tpu.memory_space<vmem>>
      %dma_wait3A_401 = tpu.memref_squeeze %dma_wait3A_400 : memref<1x2000xi32, #tpu.memory_space<vmem>> -> memref<2000xi32, #tpu.memory_space<vmem>>
      %dma_wait3A_402 = tpu.memref_slice %arg2[%add3A_393] : memref<3200000xi32, #tpu.memory_space<hbm>> -> memref<2000xi32, #tpu.memory_space<hbm>>
      tpu.wait_dma2 semaphore(%arg7 : memref<!tpu.dma_semaphore, #tpu.memory_space<semaphore_mem>>) src(%dma_wait3A_402 : memref<2000xi32, #tpu.memory_space<hbm>>) dst(%dma_wait3A_401 : memref<2000xi32, #tpu.memory_space<vmem>>)
      %sub3A = arith.constant 3 : i32
      %sub3A_403 = arith.subi %add3A_390, %sub3A : i32
      %mul3A_404 = arith.constant 2000 : i32
      %mul3A_405 = arith.muli %sub3A_403, %mul3A_404 : i32
      %add3A_406 = arith.addi %mul3A_2, %mul3A_405 : i32
      %dma_wait3A_407 = arith.constant 0 : i32
      %dma_wait3A_408 = arith.constant 0 : i32
      %dma_wait3A_409 = arith.constant 0 : i32
      %dma_wait3A_410 = tpu.memref_slice %arg6[%dma_wait3A_407, %dma_wait3A_408, %dma_wait3A_409] : memref<3x2000x16xf32, #tpu.memory_space<vmem>> -> memref<1x2000x16xf32, #tpu.memory_space<vmem>>
      %dma_wait3A_411 = tpu.memref_squeeze %dma_wait3A_410 : memref<1x2000x16xf32, #tpu.memory_space<vmem>> -> memref<2000x16xf32, #tpu.memory_space<vmem>>
      %dma_wait3A_412 = arith.constant 0 : i32
      %dma_wait3A_413 = tpu.memref_slice %arg4[%add3A_406, %dma_wait3A_412] : memref<3200000x16xf32, #tpu.memory_space<hbm>> -> memref<2000x16xf32, #tpu.memory_space<hbm>>
      %dma_wait3A_414 = arith.constant 0 : i32
      %dma_wait3A_415 = tpu.memref_slice %arg4[%add3A_406, %dma_wait3A_414] : memref<3200000x16xf32, #tpu.memory_space<hbm>> -> memref<2000x16xf32, #tpu.memory_space<hbm>>
      %dma_wait3A_416 = arith.constant 0 : i32
      %dma_wait3A_417 = arith.constant 0 : i32
      %dma_wait3A_418 = tpu.memref_slice %arg6[%dma_wait3A_407, %dma_wait3A_416, %dma_wait3A_417] : memref<3x2000x16xf32, #tpu.memory_space<vmem>> -> memref<1x2000x16xf32, #tpu.memory_space<vmem>>
      %dma_wait3A_419 = tpu.memref_squeeze %dma_wait3A_418 : memref<1x2000x16xf32, #tpu.memory_space<vmem>> -> memref<2000x16xf32, #tpu.memory_space<vmem>>
      tpu.wait_dma2 semaphore(%arg13 : memref<!tpu.dma_semaphore, #tpu.memory_space<semaphore_mem>>) src(%dma_wait3A_419 : memref<2000x16xf32, #tpu.memory_space<vmem>>) dst(%dma_wait3A_415 : memref<2000x16xf32, #tpu.memory_space<hbm>>)
      %dma_start3A_420 = arith.constant 0 : i32
      %dma_start3A_421 = arith.constant 0 : i32
      %dma_start3A_422 = arith.constant 0 : i32
      %dma_start3A_423 = arith.constant 0 : i32
      %dma_start3A_424 = tpu.memref_slice %arg6[%dma_start3A_421, %dma_start3A_422, %dma_start3A_423] : memref<3x2000x16xf32, #tpu.memory_space<vmem>> -> memref<1x2000x16xf32, #tpu.memory_space<vmem>>
      %dma_start3A_425 = tpu.memref_squeeze %dma_start3A_424 : memref<1x2000x16xf32, #tpu.memory_space<vmem>> -> memref<2000x16xf32, #tpu.memory_space<vmem>>
      %dma_start3A_426 = arith.constant 0 : i32
      %dma_start3A_427 = tpu.memref_slice %arg5[%dma_start3A_420, %dma_start3A_426] : memref<3x2000xi32, #tpu.memory_space<vmem>> -> memref<1x2000xi32, #tpu.memory_space<vmem>>
      %dma_start3A_428 = tpu.memref_squeeze %dma_start3A_427 : memref<1x2000xi32, #tpu.memory_space<vmem>> -> memref<2000xi32, #tpu.memory_space<vmem>>
      %dma_start3A_429 = arith.constant 0 : i32
      %dma_start3A_430 = arith.constant 0 : i32
      %dma_start3A_431 = tpu.memref_slice %arg3[%dma_start3A_429, %dma_start3A_430] : memref<1000000x16xf32, #tpu.memory_space<hbm>> -> memref<1000000x16xf32, #tpu.memory_space<hbm>>
      tpu.enqueue_indirect_dma source(%dma_start3A_431 : memref<1000000x16xf32, #tpu.memory_space<hbm>>) target(%dma_start3A_425 : memref<2000x16xf32, #tpu.memory_space<vmem>>) offsets(%dma_start3A_428 : memref<2000xi32, #tpu.memory_space<vmem>>) semaphore(%arg10 : memref<!tpu.dma_semaphore, #tpu.memory_space<semaphore_mem>>)
      %dma_wait3A_432 = arith.constant 2 : i32
      %dma_wait3A_433 = arith.constant 2 : i32
      %dma_wait3A_434 = arith.constant 0 : i32
      %dma_wait3A_435 = arith.constant 0 : i32
      %dma_wait3A_436 = tpu.memref_slice %arg6[%dma_wait3A_433, %dma_wait3A_434, %dma_wait3A_435] : memref<3x2000x16xf32, #tpu.memory_space<vmem>> -> memref<1x2000x16xf32, #tpu.memory_space<vmem>>
      %dma_wait3A_437 = tpu.memref_squeeze %dma_wait3A_436 : memref<1x2000x16xf32, #tpu.memory_space<vmem>> -> memref<2000x16xf32, #tpu.memory_space<vmem>>
      %dma_wait3A_438 = arith.constant 0 : i32
      %dma_wait3A_439 = tpu.memref_slice %arg5[%dma_wait3A_432, %dma_wait3A_438] : memref<3x2000xi32, #tpu.memory_space<vmem>> -> memref<1x2000xi32, #tpu.memory_space<vmem>>
      %dma_wait3A_440 = tpu.memref_squeeze %dma_wait3A_439 : memref<1x2000xi32, #tpu.memory_space<vmem>> -> memref<2000xi32, #tpu.memory_space<vmem>>
      %dma_wait3A_441 = arith.constant 0 : i32
      %dma_wait3A_442 = arith.constant 0 : i32
      %dma_wait3A_443 = tpu.memref_slice %arg3[%dma_wait3A_441, %dma_wait3A_442] : memref<1000000x16xf32, #tpu.memory_space<hbm>> -> memref<1000000x16xf32, #tpu.memory_space<hbm>>
      tpu.wait_indirect_dma semaphore(%arg12 : memref<!tpu.dma_semaphore, #tpu.memory_space<semaphore_mem>>) src(%dma_wait3A_443 : memref<1000000x16xf32, #tpu.memory_space<hbm>>) dst(%dma_wait3A_437 : memref<2000x16xf32, #tpu.memory_space<vmem>>)
      %add3A_444 = arith.constant 3 : i32
      %add3A_445 = arith.addi %add3A_390, %add3A_444 : i32
      %sub3A_446 = arith.constant 1 : i32
      %sub3A_447 = arith.subi %add3A_445, %sub3A_446 : i32
      %mul3A_448 = arith.constant 2000 : i32
      %mul3A_449 = arith.muli %sub3A_447, %mul3A_448 : i32
      %add3A_450 = arith.addi %mul3A_2, %mul3A_449 : i32
      %dma_start3A_451 = arith.constant 2 : i32
      %dma_start3A_452 = arith.constant 0 : i32
      %dma_start3A_453 = tpu.memref_slice %arg5[%dma_start3A_451, %dma_start3A_452] : memref<3x2000xi32, #tpu.memory_space<vmem>> -> memref<1x2000xi32, #tpu.memory_space<vmem>>
      %dma_start3A_454 = tpu.memref_squeeze %dma_start3A_453 : memref<1x2000xi32, #tpu.memory_space<vmem>> -> memref<2000xi32, #tpu.memory_space<vmem>>
      %dma_start3A_455 = tpu.memref_slice %arg2[%add3A_450] : memref<3200000xi32, #tpu.memory_space<hbm>> -> memref<2000xi32, #tpu.memory_space<hbm>>
      %dma_start3A_456 = arith.constant 0 : i32
      %dma_start3A_457 = tpu.memref_slice %arg5[%dma_start3A_451, %dma_start3A_456] : memref<3x2000xi32, #tpu.memory_space<vmem>> -> memref<1x2000xi32, #tpu.memory_space<vmem>>
      %dma_start3A_458 = tpu.memref_squeeze %dma_start3A_457 : memref<1x2000xi32, #tpu.memory_space<vmem>> -> memref<2000xi32, #tpu.memory_space<vmem>>
      %dma_start3A_459 = tpu.memref_slice %arg2[%add3A_450] : memref<3200000xi32, #tpu.memory_space<hbm>> -> memref<2000xi32, #tpu.memory_space<hbm>>
      tpu.enqueue_dma source(%dma_start3A_459 : memref<2000xi32, #tpu.memory_space<hbm>>) target(%dma_start3A_458 : memref<2000xi32, #tpu.memory_space<vmem>>) target_semaphore(%arg9 : memref<!tpu.dma_semaphore, #tpu.memory_space<semaphore_mem>>)
      %sub3A_460 = arith.constant 1 : i32
      %sub3A_461 = arith.subi %add3A_390, %sub3A_460 : i32
      %mul3A_462 = arith.constant 2000 : i32
      %mul3A_463 = arith.muli %sub3A_461, %mul3A_462 : i32
      %add3A_464 = arith.addi %mul3A_2, %mul3A_463 : i32
      %dma_start3A_465 = arith.constant 2 : i32
      %dma_start3A_466 = arith.constant 0 : i32
      %dma_start3A_467 = arith.constant 0 : i32
      %dma_start3A_468 = tpu.memref_slice %arg6[%dma_start3A_465, %dma_start3A_466, %dma_start3A_467] : memref<3x2000x16xf32, #tpu.memory_space<vmem>> -> memref<1x2000x16xf32, #tpu.memory_space<vmem>>
      %dma_start3A_469 = tpu.memref_squeeze %dma_start3A_468 : memref<1x2000x16xf32, #tpu.memory_space<vmem>> -> memref<2000x16xf32, #tpu.memory_space<vmem>>
      %dma_start3A_470 = arith.constant 0 : i32
      %dma_start3A_471 = tpu.memref_slice %arg4[%add3A_464, %dma_start3A_470] : memref<3200000x16xf32, #tpu.memory_space<hbm>> -> memref<2000x16xf32, #tpu.memory_space<hbm>>
      %dma_start3A_472 = arith.constant 0 : i32
      %dma_start3A_473 = tpu.memref_slice %arg4[%add3A_464, %dma_start3A_472] : memref<3200000x16xf32, #tpu.memory_space<hbm>> -> memref<2000x16xf32, #tpu.memory_space<hbm>>
      %dma_start3A_474 = arith.constant 0 : i32
      %dma_start3A_475 = arith.constant 0 : i32
      %dma_start3A_476 = tpu.memref_slice %arg6[%dma_start3A_465, %dma_start3A_474, %dma_start3A_475] : memref<3x2000x16xf32, #tpu.memory_space<vmem>> -> memref<1x2000x16xf32, #tpu.memory_space<vmem>>
      %dma_start3A_477 = tpu.memref_squeeze %dma_start3A_476 : memref<1x2000x16xf32, #tpu.memory_space<vmem>> -> memref<2000x16xf32, #tpu.memory_space<vmem>>
      tpu.enqueue_dma source(%dma_start3A_477 : memref<2000x16xf32, #tpu.memory_space<vmem>>) target(%dma_start3A_473 : memref<2000x16xf32, #tpu.memory_space<hbm>>) target_semaphore(%arg15 : memref<!tpu.dma_semaphore, #tpu.memory_space<semaphore_mem>>)
      %mul3A_478 = arith.constant 3 : i32
      %mul3A_479 = arith.muli %scan3A_386, %mul3A_478 : i32
      %add3A_480 = arith.constant 1 : i32
      %add3A_481 = arith.addi %mul3A_479, %add3A_480 : i32
      %mul3A_482 = arith.constant 2000 : i32
      %mul3A_483 = arith.muli %add3A_481, %mul3A_482 : i32
      %add3A_484 = arith.addi %mul3A_2, %mul3A_483 : i32
      %dma_wait3A_485 = arith.constant 1 : i32
      %dma_wait3A_486 = arith.constant 0 : i32
      %dma_wait3A_487 = tpu.memref_slice %arg5[%dma_wait3A_485, %dma_wait3A_486] : memref<3x2000xi32, #tpu.memory_space<vmem>> -> memref<1x2000xi32, #tpu.memory_space<vmem>>
      %dma_wait3A_488 = tpu.memref_squeeze %dma_wait3A_487 : memref<1x2000xi32, #tpu.memory_space<vmem>> -> memref<2000xi32, #tpu.memory_space<vmem>>
      %dma_wait3A_489 = tpu.memref_slice %arg2[%add3A_484] : memref<3200000xi32, #tpu.memory_space<hbm>> -> memref<2000xi32, #tpu.memory_space<hbm>>
      %dma_wait3A_490 = arith.constant 0 : i32
      %dma_wait3A_491 = tpu.memref_slice %arg5[%dma_wait3A_485, %dma_wait3A_490] : memref<3x2000xi32, #tpu.memory_space<vmem>> -> memref<1x2000xi32, #tpu.memory_space<vmem>>
      %dma_wait3A_492 = tpu.memref_squeeze %dma_wait3A_491 : memref<1x2000xi32, #tpu.memory_space<vmem>> -> memref<2000xi32, #tpu.memory_space<vmem>>
      %dma_wait3A_493 = tpu.memref_slice %arg2[%add3A_484] : memref<3200000xi32, #tpu.memory_space<hbm>> -> memref<2000xi32, #tpu.memory_space<hbm>>
      tpu.wait_dma2 semaphore(%arg8 : memref<!tpu.dma_semaphore, #tpu.memory_space<semaphore_mem>>) src(%dma_wait3A_493 : memref<2000xi32, #tpu.memory_space<hbm>>) dst(%dma_wait3A_492 : memref<2000xi32, #tpu.memory_space<vmem>>)
      %sub3A_494 = arith.constant 3 : i32
      %sub3A_495 = arith.subi %add3A_481, %sub3A_494 : i32
      %mul3A_496 = arith.constant 2000 : i32
      %mul3A_497 = arith.muli %sub3A_495, %mul3A_496 : i32
      %add3A_498 = arith.addi %mul3A_2, %mul3A_497 : i32
      %dma_wait3A_499 = arith.constant 1 : i32
      %dma_wait3A_500 = arith.constant 0 : i32
      %dma_wait3A_501 = arith.constant 0 : i32
      %dma_wait3A_502 = tpu.memref_slice %arg6[%dma_wait3A_499, %dma_wait3A_500, %dma_wait3A_501] : memref<3x2000x16xf32, #tpu.memory_space<vmem>> -> memref<1x2000x16xf32, #tpu.memory_space<vmem>>
      %dma_wait3A_503 = tpu.memref_squeeze %dma_wait3A_502 : memref<1x2000x16xf32, #tpu.memory_space<vmem>> -> memref<2000x16xf32, #tpu.memory_space<vmem>>
      %dma_wait3A_504 = arith.constant 0 : i32
      %dma_wait3A_505 = tpu.memref_slice %arg4[%add3A_498, %dma_wait3A_504] : memref<3200000x16xf32, #tpu.memory_space<hbm>> -> memref<2000x16xf32, #tpu.memory_space<hbm>>
      %dma_wait3A_506 = arith.constant 0 : i32
      %dma_wait3A_507 = tpu.memref_slice %arg4[%add3A_498, %dma_wait3A_506] : memref<3200000x16xf32, #tpu.memory_space<hbm>> -> memref<2000x16xf32, #tpu.memory_space<hbm>>
      %dma_wait3A_508 = arith.constant 0 : i32
      %dma_wait3A_509 = arith.constant 0 : i32
      %dma_wait3A_510 = tpu.memref_slice %arg6[%dma_wait3A_499, %dma_wait3A_508, %dma_wait3A_509] : memref<3x2000x16xf32, #tpu.memory_space<vmem>> -> memref<1x2000x16xf32, #tpu.memory_space<vmem>>
      %dma_wait3A_511 = tpu.memref_squeeze %dma_wait3A_510 : memref<1x2000x16xf32, #tpu.memory_space<vmem>> -> memref<2000x16xf32, #tpu.memory_space<vmem>>
      tpu.wait_dma2 semaphore(%arg14 : memref<!tpu.dma_semaphore, #tpu.memory_space<semaphore_mem>>) src(%dma_wait3A_511 : memref<2000x16xf32, #tpu.memory_space<vmem>>) dst(%dma_wait3A_507 : memref<2000x16xf32, #tpu.memory_space<hbm>>)
      %dma_start3A_512 = arith.constant 1 : i32
      %dma_start3A_513 = arith.constant 1 : i32
      %dma_start3A_514 = arith.constant 0 : i32
      %dma_start3A_515 = arith.constant 0 : i32
      %dma_start3A_516 = tpu.memref_slice %arg6[%dma_start3A_513, %dma_start3A_514, %dma_start3A_515] : memref<3x2000x16xf32, #tpu.memory_space<vmem>> -> memref<1x2000x16xf32, #tpu.memory_space<vmem>>
      %dma_start3A_517 = tpu.memref_squeeze %dma_start3A_516 : memref<1x2000x16xf32, #tpu.memory_space<vmem>> -> memref<2000x16xf32, #tpu.memory_space<vmem>>
      %dma_start3A_518 = arith.constant 0 : i32
      %dma_start3A_519 = tpu.memref_slice %arg5[%dma_start3A_512, %dma_start3A_518] : memref<3x2000xi32, #tpu.memory_space<vmem>> -> memref<1x2000xi32, #tpu.memory_space<vmem>>
      %dma_start3A_520 = tpu.memref_squeeze %dma_start3A_519 : memref<1x2000xi32, #tpu.memory_space<vmem>> -> memref<2000xi32, #tpu.memory_space<vmem>>
      %dma_start3A_521 = arith.constant 0 : i32
      %dma_start3A_522 = arith.constant 0 : i32
      %dma_start3A_523 = tpu.memref_slice %arg3[%dma_start3A_521, %dma_start3A_522] : memref<1000000x16xf32, #tpu.memory_space<hbm>> -> memref<1000000x16xf32, #tpu.memory_space<hbm>>
      tpu.enqueue_indirect_dma source(%dma_start3A_523 : memref<1000000x16xf32, #tpu.memory_space<hbm>>) target(%dma_start3A_517 : memref<2000x16xf32, #tpu.memory_space<vmem>>) offsets(%dma_start3A_520 : memref<2000xi32, #tpu.memory_space<vmem>>) semaphore(%arg11 : memref<!tpu.dma_semaphore, #tpu.memory_space<semaphore_mem>>)
      %dma_wait3A_524 = arith.constant 0 : i32
      %dma_wait3A_525 = arith.constant 0 : i32
      %dma_wait3A_526 = arith.constant 0 : i32
      %dma_wait3A_527 = arith.constant 0 : i32
      %dma_wait3A_528 = tpu.memref_slice %arg6[%dma_wait3A_525, %dma_wait3A_526, %dma_wait3A_527] : memref<3x2000x16xf32, #tpu.memory_space<vmem>> -> memref<1x2000x16xf32, #tpu.memory_space<vmem>>
      %dma_wait3A_529 = tpu.memref_squeeze %dma_wait3A_528 : memref<1x2000x16xf32, #tpu.memory_space<vmem>> -> memref<2000x16xf32, #tpu.memory_space<vmem>>
      %dma_wait3A_530 = arith.constant 0 : i32
      %dma_wait3A_531 = tpu.memref_slice %arg5[%dma_wait3A_524, %dma_wait3A_530] : memref<3x2000xi32, #tpu.memory_space<vmem>> -> memref<1x2000xi32, #tpu.memory_space<vmem>>
      %dma_wait3A_532 = tpu.memref_squeeze %dma_wait3A_531 : memref<1x2000xi32, #tpu.memory_space<vmem>> -> memref<2000xi32, #tpu.memory_space<vmem>>
      %dma_wait3A_533 = arith.constant 0 : i32
      %dma_wait3A_534 = arith.constant 0 : i32
      %dma_wait3A_535 = tpu.memref_slice %arg3[%dma_wait3A_533, %dma_wait3A_534] : memref<1000000x16xf32, #tpu.memory_space<hbm>> -> memref<1000000x16xf32, #tpu.memory_space<hbm>>
      tpu.wait_indirect_dma semaphore(%arg10 : memref<!tpu.dma_semaphore, #tpu.memory_space<semaphore_mem>>) src(%dma_wait3A_535 : memref<1000000x16xf32, #tpu.memory_space<hbm>>) dst(%dma_wait3A_529 : memref<2000x16xf32, #tpu.memory_space<vmem>>)
      %add3A_536 = arith.constant 3 : i32
      %add3A_537 = arith.addi %add3A_481, %add3A_536 : i32
      %sub3A_538 = arith.constant 1 : i32
      %sub3A_539 = arith.subi %add3A_537, %sub3A_538 : i32
      %mul3A_540 = arith.constant 2000 : i32
      %mul3A_541 = arith.muli %sub3A_539, %mul3A_540 : i32
      %add3A_542 = arith.addi %mul3A_2, %mul3A_541 : i32
      %dma_start3A_543 = arith.constant 0 : i32
      %dma_start3A_544 = arith.constant 0 : i32
      %dma_start3A_545 = tpu.memref_slice %arg5[%dma_start3A_543, %dma_start3A_544] : memref<3x2000xi32, #tpu.memory_space<vmem>> -> memref<1x2000xi32, #tpu.memory_space<vmem>>
      %dma_start3A_546 = tpu.memref_squeeze %dma_start3A_545 : memref<1x2000xi32, #tpu.memory_space<vmem>> -> memref<2000xi32, #tpu.memory_space<vmem>>
      %dma_start3A_547 = tpu.memref_slice %arg2[%add3A_542] : memref<3200000xi32, #tpu.memory_space<hbm>> -> memref<2000xi32, #tpu.memory_space<hbm>>
      %dma_start3A_548 = arith.constant 0 : i32
      %dma_start3A_549 = tpu.memref_slice %arg5[%dma_start3A_543, %dma_start3A_548] : memref<3x2000xi32, #tpu.memory_space<vmem>> -> memref<1x2000xi32, #tpu.memory_space<vmem>>
      %dma_start3A_550 = tpu.memref_squeeze %dma_start3A_549 : memref<1x2000xi32, #tpu.memory_space<vmem>> -> memref<2000xi32, #tpu.memory_space<vmem>>
      %dma_start3A_551 = tpu.memref_slice %arg2[%add3A_542] : memref<3200000xi32, #tpu.memory_space<hbm>> -> memref<2000xi32, #tpu.memory_space<hbm>>
      tpu.enqueue_dma source(%dma_start3A_551 : memref<2000xi32, #tpu.memory_space<hbm>>) target(%dma_start3A_550 : memref<2000xi32, #tpu.memory_space<vmem>>) target_semaphore(%arg7 : memref<!tpu.dma_semaphore, #tpu.memory_space<semaphore_mem>>)
      %sub3A_552 = arith.constant 1 : i32
      %sub3A_553 = arith.subi %add3A_481, %sub3A_552 : i32
      %mul3A_554 = arith.constant 2000 : i32
      %mul3A_555 = arith.muli %sub3A_553, %mul3A_554 : i32
      %add3A_556 = arith.addi %mul3A_2, %mul3A_555 : i32
      %dma_start3A_557 = arith.constant 0 : i32
      %dma_start3A_558 = arith.constant 0 : i32
      %dma_start3A_559 = arith.constant 0 : i32
      %dma_start3A_560 = tpu.memref_slice %arg6[%dma_start3A_557, %dma_start3A_558, %dma_start3A_559] : memref<3x2000x16xf32, #tpu.memory_space<vmem>> -> memref<1x2000x16xf32, #tpu.memory_space<vmem>>
      %dma_start3A_561 = tpu.memref_squeeze %dma_start3A_560 : memref<1x2000x16xf32, #tpu.memory_space<vmem>> -> memref<2000x16xf32, #tpu.memory_space<vmem>>
      %dma_start3A_562 = arith.constant 0 : i32
      %dma_start3A_563 = tpu.memref_slice %arg4[%add3A_556, %dma_start3A_562] : memref<3200000x16xf32, #tpu.memory_space<hbm>> -> memref<2000x16xf32, #tpu.memory_space<hbm>>
      %dma_start3A_564 = arith.constant 0 : i32
      %dma_start3A_565 = tpu.memref_slice %arg4[%add3A_556, %dma_start3A_564] : memref<3200000x16xf32, #tpu.memory_space<hbm>> -> memref<2000x16xf32, #tpu.memory_space<hbm>>
      %dma_start3A_566 = arith.constant 0 : i32
      %dma_start3A_567 = arith.constant 0 : i32
      %dma_start3A_568 = tpu.memref_slice %arg6[%dma_start3A_557, %dma_start3A_566, %dma_start3A_567] : memref<3x2000x16xf32, #tpu.memory_space<vmem>> -> memref<1x2000x16xf32, #tpu.memory_space<vmem>>
      %dma_start3A_569 = tpu.memref_squeeze %dma_start3A_568 : memref<1x2000x16xf32, #tpu.memory_space<vmem>> -> memref<2000x16xf32, #tpu.memory_space<vmem>>
      tpu.enqueue_dma source(%dma_start3A_569 : memref<2000x16xf32, #tpu.memory_space<vmem>>) target(%dma_start3A_565 : memref<2000x16xf32, #tpu.memory_space<hbm>>) target_semaphore(%arg13 : memref<!tpu.dma_semaphore, #tpu.memory_space<semaphore_mem>>)
      %mul3A_570 = arith.constant 3 : i32
      %mul3A_571 = arith.muli %scan3A_386, %mul3A_570 : i32
      %add3A_572 = arith.constant 2 : i32
      %add3A_573 = arith.addi %mul3A_571, %add3A_572 : i32
      %mul3A_574 = arith.constant 2000 : i32
      %mul3A_575 = arith.muli %add3A_573, %mul3A_574 : i32
      %add3A_576 = arith.addi %mul3A_2, %mul3A_575 : i32
      %dma_wait3A_577 = arith.constant 2 : i32
      %dma_wait3A_578 = arith.constant 0 : i32
      %dma_wait3A_579 = tpu.memref_slice %arg5[%dma_wait3A_577, %dma_wait3A_578] : memref<3x2000xi32, #tpu.memory_space<vmem>> -> memref<1x2000xi32, #tpu.memory_space<vmem>>
      %dma_wait3A_580 = tpu.memref_squeeze %dma_wait3A_579 : memref<1x2000xi32, #tpu.memory_space<vmem>> -> memref<2000xi32, #tpu.memory_space<vmem>>
      %dma_wait3A_581 = tpu.memref_slice %arg2[%add3A_576] : memref<3200000xi32, #tpu.memory_space<hbm>> -> memref<2000xi32, #tpu.memory_space<hbm>>
      %dma_wait3A_582 = arith.constant 0 : i32
      %dma_wait3A_583 = tpu.memref_slice %arg5[%dma_wait3A_577, %dma_wait3A_582] : memref<3x2000xi32, #tpu.memory_space<vmem>> -> memref<1x2000xi32, #tpu.memory_space<vmem>>
      %dma_wait3A_584 = tpu.memref_squeeze %dma_wait3A_583 : memref<1x2000xi32, #tpu.memory_space<vmem>> -> memref<2000xi32, #tpu.memory_space<vmem>>
      %dma_wait3A_585 = tpu.memref_slice %arg2[%add3A_576] : memref<3200000xi32, #tpu.memory_space<hbm>> -> memref<2000xi32, #tpu.memory_space<hbm>>
      tpu.wait_dma2 semaphore(%arg9 : memref<!tpu.dma_semaphore, #tpu.memory_space<semaphore_mem>>) src(%dma_wait3A_585 : memref<2000xi32, #tpu.memory_space<hbm>>) dst(%dma_wait3A_584 : memref<2000xi32, #tpu.memory_space<vmem>>)
      %sub3A_586 = arith.constant 3 : i32
      %sub3A_587 = arith.subi %add3A_573, %sub3A_586 : i32
      %mul3A_588 = arith.constant 2000 : i32
      %mul3A_589 = arith.muli %sub3A_587, %mul3A_588 : i32
      %add3A_590 = arith.addi %mul3A_2, %mul3A_589 : i32
      %dma_wait3A_591 = arith.constant 2 : i32
      %dma_wait3A_592 = arith.constant 0 : i32
      %dma_wait3A_593 = arith.constant 0 : i32
      %dma_wait3A_594 = tpu.memref_slice %arg6[%dma_wait3A_591, %dma_wait3A_592, %dma_wait3A_593] : memref<3x2000x16xf32, #tpu.memory_space<vmem>> -> memref<1x2000x16xf32, #tpu.memory_space<vmem>>
      %dma_wait3A_595 = tpu.memref_squeeze %dma_wait3A_594 : memref<1x2000x16xf32, #tpu.memory_space<vmem>> -> memref<2000x16xf32, #tpu.memory_space<vmem>>
      %dma_wait3A_596 = arith.constant 0 : i32
      %dma_wait3A_597 = tpu.memref_slice %arg4[%add3A_590, %dma_wait3A_596] : memref<3200000x16xf32, #tpu.memory_space<hbm>> -> memref<2000x16xf32, #tpu.memory_space<hbm>>
      %dma_wait3A_598 = arith.constant 0 : i32
      %dma_wait3A_599 = tpu.memref_slice %arg4[%add3A_590, %dma_wait3A_598] : memref<3200000x16xf32, #tpu.memory_space<hbm>> -> memref<2000x16xf32, #tpu.memory_space<hbm>>
      %dma_wait3A_600 = arith.constant 0 : i32
      %dma_wait3A_601 = arith.constant 0 : i32
      %dma_wait3A_602 = tpu.memref_slice %arg6[%dma_wait3A_591, %dma_wait3A_600, %dma_wait3A_601] : memref<3x2000x16xf32, #tpu.memory_space<vmem>> -> memref<1x2000x16xf32, #tpu.memory_space<vmem>>
      %dma_wait3A_603 = tpu.memref_squeeze %dma_wait3A_602 : memref<1x2000x16xf32, #tpu.memory_space<vmem>> -> memref<2000x16xf32, #tpu.memory_space<vmem>>
      tpu.wait_dma2 semaphore(%arg15 : memref<!tpu.dma_semaphore, #tpu.memory_space<semaphore_mem>>) src(%dma_wait3A_603 : memref<2000x16xf32, #tpu.memory_space<vmem>>) dst(%dma_wait3A_599 : memref<2000x16xf32, #tpu.memory_space<hbm>>)
      %dma_start3A_604 = arith.constant 2 : i32
      %dma_start3A_605 = arith.constant 2 : i32
      %dma_start3A_606 = arith.constant 0 : i32
      %dma_start3A_607 = arith.constant 0 : i32
      %dma_start3A_608 = tpu.memref_slice %arg6[%dma_start3A_605, %dma_start3A_606, %dma_start3A_607] : memref<3x2000x16xf32, #tpu.memory_space<vmem>> -> memref<1x2000x16xf32, #tpu.memory_space<vmem>>
      %dma_start3A_609 = tpu.memref_squeeze %dma_start3A_608 : memref<1x2000x16xf32, #tpu.memory_space<vmem>> -> memref<2000x16xf32, #tpu.memory_space<vmem>>
      %dma_start3A_610 = arith.constant 0 : i32
      %dma_start3A_611 = tpu.memref_slice %arg5[%dma_start3A_604, %dma_start3A_610] : memref<3x2000xi32, #tpu.memory_space<vmem>> -> memref<1x2000xi32, #tpu.memory_space<vmem>>
      %dma_start3A_612 = tpu.memref_squeeze %dma_start3A_611 : memref<1x2000xi32, #tpu.memory_space<vmem>> -> memref<2000xi32, #tpu.memory_space<vmem>>
      %dma_start3A_613 = arith.constant 0 : i32
      %dma_start3A_614 = arith.constant 0 : i32
      %dma_start3A_615 = tpu.memref_slice %arg3[%dma_start3A_613, %dma_start3A_614] : memref<1000000x16xf32, #tpu.memory_space<hbm>> -> memref<1000000x16xf32, #tpu.memory_space<hbm>>
      tpu.enqueue_indirect_dma source(%dma_start3A_615 : memref<1000000x16xf32, #tpu.memory_space<hbm>>) target(%dma_start3A_609 : memref<2000x16xf32, #tpu.memory_space<vmem>>) offsets(%dma_start3A_612 : memref<2000xi32, #tpu.memory_space<vmem>>) semaphore(%arg12 : memref<!tpu.dma_semaphore, #tpu.memory_space<semaphore_mem>>)
      %dma_wait3A_616 = arith.constant 1 : i32
      %dma_wait3A_617 = arith.constant 1 : i32
      %dma_wait3A_618 = arith.constant 0 : i32
      %dma_wait3A_619 = arith.constant 0 : i32
      %dma_wait3A_620 = tpu.memref_slice %arg6[%dma_wait3A_617, %dma_wait3A_618, %dma_wait3A_619] : memref<3x2000x16xf32, #tpu.memory_space<vmem>> -> memref<1x2000x16xf32, #tpu.memory_space<vmem>>
      %dma_wait3A_621 = tpu.memref_squeeze %dma_wait3A_620 : memref<1x2000x16xf32, #tpu.memory_space<vmem>> -> memref<2000x16xf32, #tpu.memory_space<vmem>>
      %dma_wait3A_622 = arith.constant 0 : i32
      %dma_wait3A_623 = tpu.memref_slice %arg5[%dma_wait3A_616, %dma_wait3A_622] : memref<3x2000xi32, #tpu.memory_space<vmem>> -> memref<1x2000xi32, #tpu.memory_space<vmem>>
      %dma_wait3A_624 = tpu.memref_squeeze %dma_wait3A_623 : memref<1x2000xi32, #tpu.memory_space<vmem>> -> memref<2000xi32, #tpu.memory_space<vmem>>
      %dma_wait3A_625 = arith.constant 0 : i32
      %dma_wait3A_626 = arith.constant 0 : i32
      %dma_wait3A_627 = tpu.memref_slice %arg3[%dma_wait3A_625, %dma_wait3A_626] : memref<1000000x16xf32, #tpu.memory_space<hbm>> -> memref<1000000x16xf32, #tpu.memory_space<hbm>>
      tpu.wait_indirect_dma semaphore(%arg11 : memref<!tpu.dma_semaphore, #tpu.memory_space<semaphore_mem>>) src(%dma_wait3A_627 : memref<1000000x16xf32, #tpu.memory_space<hbm>>) dst(%dma_wait3A_621 : memref<2000x16xf32, #tpu.memory_space<vmem>>)
      %add3A_628 = arith.constant 3 : i32
      %add3A_629 = arith.addi %add3A_573, %add3A_628 : i32
      %sub3A_630 = arith.constant 1 : i32
      %sub3A_631 = arith.subi %add3A_629, %sub3A_630 : i32
      %mul3A_632 = arith.constant 2000 : i32
      %mul3A_633 = arith.muli %sub3A_631, %mul3A_632 : i32
      %add3A_634 = arith.addi %mul3A_2, %mul3A_633 : i32
      %dma_start3A_635 = arith.constant 1 : i32
      %dma_start3A_636 = arith.constant 0 : i32
      %dma_start3A_637 = tpu.memref_slice %arg5[%dma_start3A_635, %dma_start3A_636] : memref<3x2000xi32, #tpu.memory_space<vmem>> -> memref<1x2000xi32, #tpu.memory_space<vmem>>
      %dma_start3A_638 = tpu.memref_squeeze %dma_start3A_637 : memref<1x2000xi32, #tpu.memory_space<vmem>> -> memref<2000xi32, #tpu.memory_space<vmem>>
      %dma_start3A_639 = tpu.memref_slice %arg2[%add3A_634] : memref<3200000xi32, #tpu.memory_space<hbm>> -> memref<2000xi32, #tpu.memory_space<hbm>>
      %dma_start3A_640 = arith.constant 0 : i32
      %dma_start3A_641 = tpu.memref_slice %arg5[%dma_start3A_635, %dma_start3A_640] : memref<3x2000xi32, #tpu.memory_space<vmem>> -> memref<1x2000xi32, #tpu.memory_space<vmem>>
      %dma_start3A_642 = tpu.memref_squeeze %dma_start3A_641 : memref<1x2000xi32, #tpu.memory_space<vmem>> -> memref<2000xi32, #tpu.memory_space<vmem>>
      %dma_start3A_643 = tpu.memref_slice %arg2[%add3A_634] : memref<3200000xi32, #tpu.memory_space<hbm>> -> memref<2000xi32, #tpu.memory_space<hbm>>
      tpu.enqueue_dma source(%dma_start3A_643 : memref<2000xi32, #tpu.memory_space<hbm>>) target(%dma_start3A_642 : memref<2000xi32, #tpu.memory_space<vmem>>) target_semaphore(%arg8 : memref<!tpu.dma_semaphore, #tpu.memory_space<semaphore_mem>>)
      %sub3A_644 = arith.constant 1 : i32
      %sub3A_645 = arith.subi %add3A_573, %sub3A_644 : i32
      %mul3A_646 = arith.constant 2000 : i32
      %mul3A_647 = arith.muli %sub3A_645, %mul3A_646 : i32
      %add3A_648 = arith.addi %mul3A_2, %mul3A_647 : i32
      %dma_start3A_649 = arith.constant 1 : i32
      %dma_start3A_650 = arith.constant 0 : i32
      %dma_start3A_651 = arith.constant 0 : i32
      %dma_start3A_652 = tpu.memref_slice %arg6[%dma_start3A_649, %dma_start3A_650, %dma_start3A_651] : memref<3x2000x16xf32, #tpu.memory_space<vmem>> -> memref<1x2000x16xf32, #tpu.memory_space<vmem>>
      %dma_start3A_653 = tpu.memref_squeeze %dma_start3A_652 : memref<1x2000x16xf32, #tpu.memory_space<vmem>> -> memref<2000x16xf32, #tpu.memory_space<vmem>>
      %dma_start3A_654 = arith.constant 0 : i32
      %dma_start3A_655 = tpu.memref_slice %arg4[%add3A_648, %dma_start3A_654] : memref<3200000x16xf32, #tpu.memory_space<hbm>> -> memref<2000x16xf32, #tpu.memory_space<hbm>>
      %dma_start3A_656 = arith.constant 0 : i32
      %dma_start3A_657 = tpu.memref_slice %arg4[%add3A_648, %dma_start3A_656] : memref<3200000x16xf32, #tpu.memory_space<hbm>> -> memref<2000x16xf32, #tpu.memory_space<hbm>>
      %dma_start3A_658 = arith.constant 0 : i32
      %dma_start3A_659 = arith.constant 0 : i32
      %dma_start3A_660 = tpu.memref_slice %arg6[%dma_start3A_649, %dma_start3A_658, %dma_start3A_659] : memref<3x2000x16xf32, #tpu.memory_space<vmem>> -> memref<1x2000x16xf32, #tpu.memory_space<vmem>>
      %dma_start3A_661 = tpu.memref_squeeze %dma_start3A_660 : memref<1x2000x16xf32, #tpu.memory_space<vmem>> -> memref<2000x16xf32, #tpu.memory_space<vmem>>
      tpu.enqueue_dma source(%dma_start3A_661 : memref<2000x16xf32, #tpu.memory_space<vmem>>) target(%dma_start3A_657 : memref<2000x16xf32, #tpu.memory_space<hbm>>) target_semaphore(%arg14 : memref<!tpu.dma_semaphore, #tpu.memory_space<semaphore_mem>>)
    }
    %scan3A_183 = arith.constant 15 : i32
    %add3A_184 = arith.constant 96000 : i32
    %add3A_185 = arith.addi %mul3A_2, %add3A_184 : i32
    %dma_wait3A_186 = arith.constant 0 : i32
    %dma_wait3A_187 = arith.constant 0 : i32
    %dma_wait3A_188 = tpu.memref_slice %arg5[%dma_wait3A_186, %dma_wait3A_187] : memref<3x2000xi32, #tpu.memory_space<vmem>> -> memref<1x2000xi32, #tpu.memory_space<vmem>>
    %dma_wait3A_189 = tpu.memref_squeeze %dma_wait3A_188 : memref<1x2000xi32, #tpu.memory_space<vmem>> -> memref<2000xi32, #tpu.memory_space<vmem>>
    %dma_wait3A_190 = tpu.memref_slice %arg2[%add3A_185] : memref<3200000xi32, #tpu.memory_space<hbm>> -> memref<2000xi32, #tpu.memory_space<hbm>>
    %dma_wait3A_191 = arith.constant 0 : i32
    %dma_wait3A_192 = tpu.memref_slice %arg5[%dma_wait3A_186, %dma_wait3A_191] : memref<3x2000xi32, #tpu.memory_space<vmem>> -> memref<1x2000xi32, #tpu.memory_space<vmem>>
    %dma_wait3A_193 = tpu.memref_squeeze %dma_wait3A_192 : memref<1x2000xi32, #tpu.memory_space<vmem>> -> memref<2000xi32, #tpu.memory_space<vmem>>
    %dma_wait3A_194 = tpu.memref_slice %arg2[%add3A_185] : memref<3200000xi32, #tpu.memory_space<hbm>> -> memref<2000xi32, #tpu.memory_space<hbm>>
    tpu.wait_dma2 semaphore(%arg7 : memref<!tpu.dma_semaphore, #tpu.memory_space<semaphore_mem>>) src(%dma_wait3A_194 : memref<2000xi32, #tpu.memory_space<hbm>>) dst(%dma_wait3A_193 : memref<2000xi32, #tpu.memory_space<vmem>>)
    %add3A_195 = arith.constant 90000 : i32
    %add3A_196 = arith.addi %mul3A_2, %add3A_195 : i32
    %dma_wait3A_197 = arith.constant 0 : i32
    %dma_wait3A_198 = arith.constant 0 : i32
    %dma_wait3A_199 = arith.constant 0 : i32
    %dma_wait3A_200 = tpu.memref_slice %arg6[%dma_wait3A_197, %dma_wait3A_198, %dma_wait3A_199] : memref<3x2000x16xf32, #tpu.memory_space<vmem>> -> memref<1x2000x16xf32, #tpu.memory_space<vmem>>
    %dma_wait3A_201 = tpu.memref_squeeze %dma_wait3A_200 : memref<1x2000x16xf32, #tpu.memory_space<vmem>> -> memref<2000x16xf32, #tpu.memory_space<vmem>>
    %dma_wait3A_202 = arith.constant 0 : i32
    %dma_wait3A_203 = tpu.memref_slice %arg4[%add3A_196, %dma_wait3A_202] : memref<3200000x16xf32, #tpu.memory_space<hbm>> -> memref<2000x16xf32, #tpu.memory_space<hbm>>
    %dma_wait3A_204 = arith.constant 0 : i32
    %dma_wait3A_205 = tpu.memref_slice %arg4[%add3A_196, %dma_wait3A_204] : memref<3200000x16xf32, #tpu.memory_space<hbm>> -> memref<2000x16xf32, #tpu.memory_space<hbm>>
    %dma_wait3A_206 = arith.constant 0 : i32
    %dma_wait3A_207 = arith.constant 0 : i32
    %dma_wait3A_208 = tpu.memref_slice %arg6[%dma_wait3A_197, %dma_wait3A_206, %dma_wait3A_207] : memref<3x2000x16xf32, #tpu.memory_space<vmem>> -> memref<1x2000x16xf32, #tpu.memory_space<vmem>>
    %dma_wait3A_209 = tpu.memref_squeeze %dma_wait3A_208 : memref<1x2000x16xf32, #tpu.memory_space<vmem>> -> memref<2000x16xf32, #tpu.memory_space<vmem>>
    tpu.wait_dma2 semaphore(%arg13 : memref<!tpu.dma_semaphore, #tpu.memory_space<semaphore_mem>>) src(%dma_wait3A_209 : memref<2000x16xf32, #tpu.memory_space<vmem>>) dst(%dma_wait3A_205 : memref<2000x16xf32, #tpu.memory_space<hbm>>)
    %dma_start3A_210 = arith.constant 0 : i32
    %dma_start3A_211 = arith.constant 0 : i32
    %dma_start3A_212 = arith.constant 0 : i32
    %dma_start3A_213 = arith.constant 0 : i32
    %dma_start3A_214 = tpu.memref_slice %arg6[%dma_start3A_211, %dma_start3A_212, %dma_start3A_213] : memref<3x2000x16xf32, #tpu.memory_space<vmem>> -> memref<1x2000x16xf32, #tpu.memory_space<vmem>>
    %dma_start3A_215 = tpu.memref_squeeze %dma_start3A_214 : memref<1x2000x16xf32, #tpu.memory_space<vmem>> -> memref<2000x16xf32, #tpu.memory_space<vmem>>
    %dma_start3A_216 = arith.constant 0 : i32
    %dma_start3A_217 = tpu.memref_slice %arg5[%dma_start3A_210, %dma_start3A_216] : memref<3x2000xi32, #tpu.memory_space<vmem>> -> memref<1x2000xi32, #tpu.memory_space<vmem>>
    %dma_start3A_218 = tpu.memref_squeeze %dma_start3A_217 : memref<1x2000xi32, #tpu.memory_space<vmem>> -> memref<2000xi32, #tpu.memory_space<vmem>>
    %dma_start3A_219 = arith.constant 0 : i32
    %dma_start3A_220 = arith.constant 0 : i32
    %dma_start3A_221 = tpu.memref_slice %arg3[%dma_start3A_219, %dma_start3A_220] : memref<1000000x16xf32, #tpu.memory_space<hbm>> -> memref<1000000x16xf32, #tpu.memory_space<hbm>>
    tpu.enqueue_indirect_dma source(%dma_start3A_221 : memref<1000000x16xf32, #tpu.memory_space<hbm>>) target(%dma_start3A_215 : memref<2000x16xf32, #tpu.memory_space<vmem>>) offsets(%dma_start3A_218 : memref<2000xi32, #tpu.memory_space<vmem>>) semaphore(%arg10 : memref<!tpu.dma_semaphore, #tpu.memory_space<semaphore_mem>>)
    %dma_wait3A_222 = arith.constant 2 : i32
    %dma_wait3A_223 = arith.constant 2 : i32
    %dma_wait3A_224 = arith.constant 0 : i32
    %dma_wait3A_225 = arith.constant 0 : i32
    %dma_wait3A_226 = tpu.memref_slice %arg6[%dma_wait3A_223, %dma_wait3A_224, %dma_wait3A_225] : memref<3x2000x16xf32, #tpu.memory_space<vmem>> -> memref<1x2000x16xf32, #tpu.memory_space<vmem>>
    %dma_wait3A_227 = tpu.memref_squeeze %dma_wait3A_226 : memref<1x2000x16xf32, #tpu.memory_space<vmem>> -> memref<2000x16xf32, #tpu.memory_space<vmem>>
    %dma_wait3A_228 = arith.constant 0 : i32
    %dma_wait3A_229 = tpu.memref_slice %arg5[%dma_wait3A_222, %dma_wait3A_228] : memref<3x2000xi32, #tpu.memory_space<vmem>> -> memref<1x2000xi32, #tpu.memory_space<vmem>>
    %dma_wait3A_230 = tpu.memref_squeeze %dma_wait3A_229 : memref<1x2000xi32, #tpu.memory_space<vmem>> -> memref<2000xi32, #tpu.memory_space<vmem>>
    %dma_wait3A_231 = arith.constant 0 : i32
    %dma_wait3A_232 = arith.constant 0 : i32
    %dma_wait3A_233 = tpu.memref_slice %arg3[%dma_wait3A_231, %dma_wait3A_232] : memref<1000000x16xf32, #tpu.memory_space<hbm>> -> memref<1000000x16xf32, #tpu.memory_space<hbm>>
    tpu.wait_indirect_dma semaphore(%arg12 : memref<!tpu.dma_semaphore, #tpu.memory_space<semaphore_mem>>) src(%dma_wait3A_233 : memref<1000000x16xf32, #tpu.memory_space<hbm>>) dst(%dma_wait3A_227 : memref<2000x16xf32, #tpu.memory_space<vmem>>)
    %add3A_234 = arith.constant 94000 : i32
    %add3A_235 = arith.addi %mul3A_2, %add3A_234 : i32
    %dma_start3A_236 = arith.constant 2 : i32
    %dma_start3A_237 = arith.constant 0 : i32
    %dma_start3A_238 = arith.constant 0 : i32
    %dma_start3A_239 = tpu.memref_slice %arg6[%dma_start3A_236, %dma_start3A_237, %dma_start3A_238] : memref<3x2000x16xf32, #tpu.memory_space<vmem>> -> memref<1x2000x16xf32, #tpu.memory_space<vmem>>
    %dma_start3A_240 = tpu.memref_squeeze %dma_start3A_239 : memref<1x2000x16xf32, #tpu.memory_space<vmem>> -> memref<2000x16xf32, #tpu.memory_space<vmem>>
    %dma_start3A_241 = arith.constant 0 : i32
    %dma_start3A_242 = tpu.memref_slice %arg4[%add3A_235, %dma_start3A_241] : memref<3200000x16xf32, #tpu.memory_space<hbm>> -> memref<2000x16xf32, #tpu.memory_space<hbm>>
    %dma_start3A_243 = arith.constant 0 : i32
    %dma_start3A_244 = tpu.memref_slice %arg4[%add3A_235, %dma_start3A_243] : memref<3200000x16xf32, #tpu.memory_space<hbm>> -> memref<2000x16xf32, #tpu.memory_space<hbm>>
    %dma_start3A_245 = arith.constant 0 : i32
    %dma_start3A_246 = arith.constant 0 : i32
    %dma_start3A_247 = tpu.memref_slice %arg6[%dma_start3A_236, %dma_start3A_245, %dma_start3A_246] : memref<3x2000x16xf32, #tpu.memory_space<vmem>> -> memref<1x2000x16xf32, #tpu.memory_space<vmem>>
    %dma_start3A_248 = tpu.memref_squeeze %dma_start3A_247 : memref<1x2000x16xf32, #tpu.memory_space<vmem>> -> memref<2000x16xf32, #tpu.memory_space<vmem>>
    tpu.enqueue_dma source(%dma_start3A_248 : memref<2000x16xf32, #tpu.memory_space<vmem>>) target(%dma_start3A_244 : memref<2000x16xf32, #tpu.memory_space<hbm>>) target_semaphore(%arg15 : memref<!tpu.dma_semaphore, #tpu.memory_space<semaphore_mem>>)
    %add3A_249 = arith.constant 98000 : i32
    %add3A_250 = arith.addi %mul3A_2, %add3A_249 : i32
    %dma_wait3A_251 = arith.constant 1 : i32
    %dma_wait3A_252 = arith.constant 0 : i32
    %dma_wait3A_253 = tpu.memref_slice %arg5[%dma_wait3A_251, %dma_wait3A_252] : memref<3x2000xi32, #tpu.memory_space<vmem>> -> memref<1x2000xi32, #tpu.memory_space<vmem>>
    %dma_wait3A_254 = tpu.memref_squeeze %dma_wait3A_253 : memref<1x2000xi32, #tpu.memory_space<vmem>> -> memref<2000xi32, #tpu.memory_space<vmem>>
    %dma_wait3A_255 = tpu.memref_slice %arg2[%add3A_250] : memref<3200000xi32, #tpu.memory_space<hbm>> -> memref<2000xi32, #tpu.memory_space<hbm>>
    %dma_wait3A_256 = arith.constant 0 : i32
    %dma_wait3A_257 = tpu.memref_slice %arg5[%dma_wait3A_251, %dma_wait3A_256] : memref<3x2000xi32, #tpu.memory_space<vmem>> -> memref<1x2000xi32, #tpu.memory_space<vmem>>
    %dma_wait3A_258 = tpu.memref_squeeze %dma_wait3A_257 : memref<1x2000xi32, #tpu.memory_space<vmem>> -> memref<2000xi32, #tpu.memory_space<vmem>>
    %dma_wait3A_259 = tpu.memref_slice %arg2[%add3A_250] : memref<3200000xi32, #tpu.memory_space<hbm>> -> memref<2000xi32, #tpu.memory_space<hbm>>
    tpu.wait_dma2 semaphore(%arg8 : memref<!tpu.dma_semaphore, #tpu.memory_space<semaphore_mem>>) src(%dma_wait3A_259 : memref<2000xi32, #tpu.memory_space<hbm>>) dst(%dma_wait3A_258 : memref<2000xi32, #tpu.memory_space<vmem>>)
    %add3A_260 = arith.constant 92000 : i32
    %add3A_261 = arith.addi %mul3A_2, %add3A_260 : i32
    %dma_wait3A_262 = arith.constant 1 : i32
    %dma_wait3A_263 = arith.constant 0 : i32
    %dma_wait3A_264 = arith.constant 0 : i32
    %dma_wait3A_265 = tpu.memref_slice %arg6[%dma_wait3A_262, %dma_wait3A_263, %dma_wait3A_264] : memref<3x2000x16xf32, #tpu.memory_space<vmem>> -> memref<1x2000x16xf32, #tpu.memory_space<vmem>>
    %dma_wait3A_266 = tpu.memref_squeeze %dma_wait3A_265 : memref<1x2000x16xf32, #tpu.memory_space<vmem>> -> memref<2000x16xf32, #tpu.memory_space<vmem>>
    %dma_wait3A_267 = arith.constant 0 : i32
    %dma_wait3A_268 = tpu.memref_slice %arg4[%add3A_261, %dma_wait3A_267] : memref<3200000x16xf32, #tpu.memory_space<hbm>> -> memref<2000x16xf32, #tpu.memory_space<hbm>>
    %dma_wait3A_269 = arith.constant 0 : i32
    %dma_wait3A_270 = tpu.memref_slice %arg4[%add3A_261, %dma_wait3A_269] : memref<3200000x16xf32, #tpu.memory_space<hbm>> -> memref<2000x16xf32, #tpu.memory_space<hbm>>
    %dma_wait3A_271 = arith.constant 0 : i32
    %dma_wait3A_272 = arith.constant 0 : i32
    %dma_wait3A_273 = tpu.memref_slice %arg6[%dma_wait3A_262, %dma_wait3A_271, %dma_wait3A_272] : memref<3x2000x16xf32, #tpu.memory_space<vmem>> -> memref<1x2000x16xf32, #tpu.memory_space<vmem>>
    %dma_wait3A_274 = tpu.memref_squeeze %dma_wait3A_273 : memref<1x2000x16xf32, #tpu.memory_space<vmem>> -> memref<2000x16xf32, #tpu.memory_space<vmem>>
    tpu.wait_dma2 semaphore(%arg14 : memref<!tpu.dma_semaphore, #tpu.memory_space<semaphore_mem>>) src(%dma_wait3A_274 : memref<2000x16xf32, #tpu.memory_space<vmem>>) dst(%dma_wait3A_270 : memref<2000x16xf32, #tpu.memory_space<hbm>>)
    %dma_start3A_275 = arith.constant 1 : i32
    %dma_start3A_276 = arith.constant 1 : i32
    %dma_start3A_277 = arith.constant 0 : i32
    %dma_start3A_278 = arith.constant 0 : i32
    %dma_start3A_279 = tpu.memref_slice %arg6[%dma_start3A_276, %dma_start3A_277, %dma_start3A_278] : memref<3x2000x16xf32, #tpu.memory_space<vmem>> -> memref<1x2000x16xf32, #tpu.memory_space<vmem>>
    %dma_start3A_280 = tpu.memref_squeeze %dma_start3A_279 : memref<1x2000x16xf32, #tpu.memory_space<vmem>> -> memref<2000x16xf32, #tpu.memory_space<vmem>>
    %dma_start3A_281 = arith.constant 0 : i32
    %dma_start3A_282 = tpu.memref_slice %arg5[%dma_start3A_275, %dma_start3A_281] : memref<3x2000xi32, #tpu.memory_space<vmem>> -> memref<1x2000xi32, #tpu.memory_space<vmem>>
    %dma_start3A_283 = tpu.memref_squeeze %dma_start3A_282 : memref<1x2000xi32, #tpu.memory_space<vmem>> -> memref<2000xi32, #tpu.memory_space<vmem>>
    %dma_start3A_284 = arith.constant 0 : i32
    %dma_start3A_285 = arith.constant 0 : i32
    %dma_start3A_286 = tpu.memref_slice %arg3[%dma_start3A_284, %dma_start3A_285] : memref<1000000x16xf32, #tpu.memory_space<hbm>> -> memref<1000000x16xf32, #tpu.memory_space<hbm>>
    tpu.enqueue_indirect_dma source(%dma_start3A_286 : memref<1000000x16xf32, #tpu.memory_space<hbm>>) target(%dma_start3A_280 : memref<2000x16xf32, #tpu.memory_space<vmem>>) offsets(%dma_start3A_283 : memref<2000xi32, #tpu.memory_space<vmem>>) semaphore(%arg11 : memref<!tpu.dma_semaphore, #tpu.memory_space<semaphore_mem>>)
    %dma_wait3A_287 = arith.constant 0 : i32
    %dma_wait3A_288 = arith.constant 0 : i32
    %dma_wait3A_289 = arith.constant 0 : i32
    %dma_wait3A_290 = arith.constant 0 : i32
    %dma_wait3A_291 = tpu.memref_slice %arg6[%dma_wait3A_288, %dma_wait3A_289, %dma_wait3A_290] : memref<3x2000x16xf32, #tpu.memory_space<vmem>> -> memref<1x2000x16xf32, #tpu.memory_space<vmem>>
    %dma_wait3A_292 = tpu.memref_squeeze %dma_wait3A_291 : memref<1x2000x16xf32, #tpu.memory_space<vmem>> -> memref<2000x16xf32, #tpu.memory_space<vmem>>
    %dma_wait3A_293 = arith.constant 0 : i32
    %dma_wait3A_294 = tpu.memref_slice %arg5[%dma_wait3A_287, %dma_wait3A_293] : memref<3x2000xi32, #tpu.memory_space<vmem>> -> memref<1x2000xi32, #tpu.memory_space<vmem>>
    %dma_wait3A_295 = tpu.memref_squeeze %dma_wait3A_294 : memref<1x2000xi32, #tpu.memory_space<vmem>> -> memref<2000xi32, #tpu.memory_space<vmem>>
    %dma_wait3A_296 = arith.constant 0 : i32
    %dma_wait3A_297 = arith.constant 0 : i32
    %dma_wait3A_298 = tpu.memref_slice %arg3[%dma_wait3A_296, %dma_wait3A_297] : memref<1000000x16xf32, #tpu.memory_space<hbm>> -> memref<1000000x16xf32, #tpu.memory_space<hbm>>
    tpu.wait_indirect_dma semaphore(%arg10 : memref<!tpu.dma_semaphore, #tpu.memory_space<semaphore_mem>>) src(%dma_wait3A_298 : memref<1000000x16xf32, #tpu.memory_space<hbm>>) dst(%dma_wait3A_292 : memref<2000x16xf32, #tpu.memory_space<vmem>>)
    %add3A_299 = arith.constant 96000 : i32
    %add3A_300 = arith.addi %mul3A_2, %add3A_299 : i32
    %dma_start3A_301 = arith.constant 0 : i32
    %dma_start3A_302 = arith.constant 0 : i32
    %dma_start3A_303 = arith.constant 0 : i32
    %dma_start3A_304 = tpu.memref_slice %arg6[%dma_start3A_301, %dma_start3A_302, %dma_start3A_303] : memref<3x2000x16xf32, #tpu.memory_space<vmem>> -> memref<1x2000x16xf32, #tpu.memory_space<vmem>>
    %dma_start3A_305 = tpu.memref_squeeze %dma_start3A_304 : memref<1x2000x16xf32, #tpu.memory_space<vmem>> -> memref<2000x16xf32, #tpu.memory_space<vmem>>
    %dma_start3A_306 = arith.constant 0 : i32
    %dma_start3A_307 = tpu.memref_slice %arg4[%add3A_300, %dma_start3A_306] : memref<3200000x16xf32, #tpu.memory_space<hbm>> -> memref<2000x16xf32, #tpu.memory_space<hbm>>
    %dma_start3A_308 = arith.constant 0 : i32
    %dma_start3A_309 = tpu.memref_slice %arg4[%add3A_300, %dma_start3A_308] : memref<3200000x16xf32, #tpu.memory_space<hbm>> -> memref<2000x16xf32, #tpu.memory_space<hbm>>
    %dma_start3A_310 = arith.constant 0 : i32
    %dma_start3A_311 = arith.constant 0 : i32
    %dma_start3A_312 = tpu.memref_slice %arg6[%dma_start3A_301, %dma_start3A_310, %dma_start3A_311] : memref<3x2000x16xf32, #tpu.memory_space<vmem>> -> memref<1x2000x16xf32, #tpu.memory_space<vmem>>
    %dma_start3A_313 = tpu.memref_squeeze %dma_start3A_312 : memref<1x2000x16xf32, #tpu.memory_space<vmem>> -> memref<2000x16xf32, #tpu.memory_space<vmem>>
    tpu.enqueue_dma source(%dma_start3A_313 : memref<2000x16xf32, #tpu.memory_space<vmem>>) target(%dma_start3A_309 : memref<2000x16xf32, #tpu.memory_space<hbm>>) target_semaphore(%arg13 : memref<!tpu.dma_semaphore, #tpu.memory_space<semaphore_mem>>)
    %dma_wait3A_314 = arith.constant 1 : i32
    %dma_wait3A_315 = arith.constant 1 : i32
    %dma_wait3A_316 = arith.constant 0 : i32
    %dma_wait3A_317 = arith.constant 0 : i32
    %dma_wait3A_318 = tpu.memref_slice %arg6[%dma_wait3A_315, %dma_wait3A_316, %dma_wait3A_317] : memref<3x2000x16xf32, #tpu.memory_space<vmem>> -> memref<1x2000x16xf32, #tpu.memory_space<vmem>>
    %dma_wait3A_319 = tpu.memref_squeeze %dma_wait3A_318 : memref<1x2000x16xf32, #tpu.memory_space<vmem>> -> memref<2000x16xf32, #tpu.memory_space<vmem>>
    %dma_wait3A_320 = arith.constant 0 : i32
    %dma_wait3A_321 = tpu.memref_slice %arg5[%dma_wait3A_314, %dma_wait3A_320] : memref<3x2000xi32, #tpu.memory_space<vmem>> -> memref<1x2000xi32, #tpu.memory_space<vmem>>
    %dma_wait3A_322 = tpu.memref_squeeze %dma_wait3A_321 : memref<1x2000xi32, #tpu.memory_space<vmem>> -> memref<2000xi32, #tpu.memory_space<vmem>>
    %dma_wait3A_323 = arith.constant 0 : i32
    %dma_wait3A_324 = arith.constant 0 : i32
    %dma_wait3A_325 = tpu.memref_slice %arg3[%dma_wait3A_323, %dma_wait3A_324] : memref<1000000x16xf32, #tpu.memory_space<hbm>> -> memref<1000000x16xf32, #tpu.memory_space<hbm>>
    tpu.wait_indirect_dma semaphore(%arg11 : memref<!tpu.dma_semaphore, #tpu.memory_space<semaphore_mem>>) src(%dma_wait3A_325 : memref<1000000x16xf32, #tpu.memory_space<hbm>>) dst(%dma_wait3A_319 : memref<2000x16xf32, #tpu.memory_space<vmem>>)
    %add3A_326 = arith.constant 98000 : i32
    %add3A_327 = arith.addi %mul3A_2, %add3A_326 : i32
    %dma_start3A_328 = arith.constant 1 : i32
    %dma_start3A_329 = arith.constant 0 : i32
    %dma_start3A_330 = arith.constant 0 : i32
    %dma_start3A_331 = tpu.memref_slice %arg6[%dma_start3A_328, %dma_start3A_329, %dma_start3A_330] : memref<3x2000x16xf32, #tpu.memory_space<vmem>> -> memref<1x2000x16xf32, #tpu.memory_space<vmem>>
    %dma_start3A_332 = tpu.memref_squeeze %dma_start3A_331 : memref<1x2000x16xf32, #tpu.memory_space<vmem>> -> memref<2000x16xf32, #tpu.memory_space<vmem>>
    %dma_start3A_333 = arith.constant 0 : i32
    %dma_start3A_334 = tpu.memref_slice %arg4[%add3A_327, %dma_start3A_333] : memref<3200000x16xf32, #tpu.memory_space<hbm>> -> memref<2000x16xf32, #tpu.memory_space<hbm>>
    %dma_start3A_335 = arith.constant 0 : i32
    %dma_start3A_336 = tpu.memref_slice %arg4[%add3A_327, %dma_start3A_335] : memref<3200000x16xf32, #tpu.memory_space<hbm>> -> memref<2000x16xf32, #tpu.memory_space<hbm>>
    %dma_start3A_337 = arith.constant 0 : i32
    %dma_start3A_338 = arith.constant 0 : i32
    %dma_start3A_339 = tpu.memref_slice %arg6[%dma_start3A_328, %dma_start3A_337, %dma_start3A_338] : memref<3x2000x16xf32, #tpu.memory_space<vmem>> -> memref<1x2000x16xf32, #tpu.memory_space<vmem>>
    %dma_start3A_340 = tpu.memref_squeeze %dma_start3A_339 : memref<1x2000x16xf32, #tpu.memory_space<vmem>> -> memref<2000x16xf32, #tpu.memory_space<vmem>>
    tpu.enqueue_dma source(%dma_start3A_340 : memref<2000x16xf32, #tpu.memory_space<vmem>>) target(%dma_start3A_336 : memref<2000x16xf32, #tpu.memory_space<hbm>>) target_semaphore(%arg14 : memref<!tpu.dma_semaphore, #tpu.memory_space<semaphore_mem>>)
    %add3A_341 = arith.constant 94000 : i32
    %add3A_342 = arith.addi %mul3A_2, %add3A_341 : i32
    %dma_wait3A_343 = arith.constant 2 : i32
    %dma_wait3A_344 = arith.constant 0 : i32
    %dma_wait3A_345 = arith.constant 0 : i32
    %dma_wait3A_346 = tpu.memref_slice %arg6[%dma_wait3A_343, %dma_wait3A_344, %dma_wait3A_345] : memref<3x2000x16xf32, #tpu.memory_space<vmem>> -> memref<1x2000x16xf32, #tpu.memory_space<vmem>>
    %dma_wait3A_347 = tpu.memref_squeeze %dma_wait3A_346 : memref<1x2000x16xf32, #tpu.memory_space<vmem>> -> memref<2000x16xf32, #tpu.memory_space<vmem>>
    %dma_wait3A_348 = arith.constant 0 : i32
    %dma_wait3A_349 = tpu.memref_slice %arg4[%add3A_342, %dma_wait3A_348] : memref<3200000x16xf32, #tpu.memory_space<hbm>> -> memref<2000x16xf32, #tpu.memory_space<hbm>>
    %dma_wait3A_350 = arith.constant 0 : i32
    %dma_wait3A_351 = tpu.memref_slice %arg4[%add3A_342, %dma_wait3A_350] : memref<3200000x16xf32, #tpu.memory_space<hbm>> -> memref<2000x16xf32, #tpu.memory_space<hbm>>
    %dma_wait3A_352 = arith.constant 0 : i32
    %dma_wait3A_353 = arith.constant 0 : i32
    %dma_wait3A_354 = tpu.memref_slice %arg6[%dma_wait3A_343, %dma_wait3A_352, %dma_wait3A_353] : memref<3x2000x16xf32, #tpu.memory_space<vmem>> -> memref<1x2000x16xf32, #tpu.memory_space<vmem>>
    %dma_wait3A_355 = tpu.memref_squeeze %dma_wait3A_354 : memref<1x2000x16xf32, #tpu.memory_space<vmem>> -> memref<2000x16xf32, #tpu.memory_space<vmem>>
    tpu.wait_dma2 semaphore(%arg15 : memref<!tpu.dma_semaphore, #tpu.memory_space<semaphore_mem>>) src(%dma_wait3A_355 : memref<2000x16xf32, #tpu.memory_space<vmem>>) dst(%dma_wait3A_351 : memref<2000x16xf32, #tpu.memory_space<hbm>>)
    %add3A_356 = arith.constant 96000 : i32
    %add3A_357 = arith.addi %mul3A_2, %add3A_356 : i32
    %dma_wait3A_358 = arith.constant 0 : i32
    %dma_wait3A_359 = arith.constant 0 : i32
    %dma_wait3A_360 = arith.constant 0 : i32
    %dma_wait3A_361 = tpu.memref_slice %arg6[%dma_wait3A_358, %dma_wait3A_359, %dma_wait3A_360] : memref<3x2000x16xf32, #tpu.memory_space<vmem>> -> memref<1x2000x16xf32, #tpu.memory_space<vmem>>
    %dma_wait3A_362 = tpu.memref_squeeze %dma_wait3A_361 : memref<1x2000x16xf32, #tpu.memory_space<vmem>> -> memref<2000x16xf32, #tpu.memory_space<vmem>>
    %dma_wait3A_363 = arith.constant 0 : i32
    %dma_wait3A_364 = tpu.memref_slice %arg4[%add3A_357, %dma_wait3A_363] : memref<3200000x16xf32, #tpu.memory_space<hbm>> -> memref<2000x16xf32, #tpu.memory_space<hbm>>
    %dma_wait3A_365 = arith.constant 0 : i32
    %dma_wait3A_366 = tpu.memref_slice %arg4[%add3A_357, %dma_wait3A_365] : memref<3200000x16xf32, #tpu.memory_space<hbm>> -> memref<2000x16xf32, #tpu.memory_space<hbm>>
    %dma_wait3A_367 = arith.constant 0 : i32
    %dma_wait3A_368 = arith.constant 0 : i32
    %dma_wait3A_369 = tpu.memref_slice %arg6[%dma_wait3A_358, %dma_wait3A_367, %dma_wait3A_368] : memref<3x2000x16xf32, #tpu.memory_space<vmem>> -> memref<1x2000x16xf32, #tpu.memory_space<vmem>>
    %dma_wait3A_370 = tpu.memref_squeeze %dma_wait3A_369 : memref<1x2000x16xf32, #tpu.memory_space<vmem>> -> memref<2000x16xf32, #tpu.memory_space<vmem>>
    tpu.wait_dma2 semaphore(%arg13 : memref<!tpu.dma_semaphore, #tpu.memory_space<semaphore_mem>>) src(%dma_wait3A_370 : memref<2000x16xf32, #tpu.memory_space<vmem>>) dst(%dma_wait3A_366 : memref<2000x16xf32, #tpu.memory_space<hbm>>)
    %add3A_371 = arith.constant 98000 : i32
    %add3A_372 = arith.addi %mul3A_2, %add3A_371 : i32
    %dma_wait3A_373 = arith.constant 1 : i32
    %dma_wait3A_374 = arith.constant 0 : i32
    %dma_wait3A_375 = arith.constant 0 : i32
    %dma_wait3A_376 = tpu.memref_slice %arg6[%dma_wait3A_373, %dma_wait3A_374, %dma_wait3A_375] : memref<3x2000x16xf32, #tpu.memory_space<vmem>> -> memref<1x2000x16xf32, #tpu.memory_space<vmem>>
    %dma_wait3A_377 = tpu.memref_squeeze %dma_wait3A_376 : memref<1x2000x16xf32, #tpu.memory_space<vmem>> -> memref<2000x16xf32, #tpu.memory_space<vmem>>
    %dma_wait3A_378 = arith.constant 0 : i32
    %dma_wait3A_379 = tpu.memref_slice %arg4[%add3A_372, %dma_wait3A_378] : memref<3200000x16xf32, #tpu.memory_space<hbm>> -> memref<2000x16xf32, #tpu.memory_space<hbm>>
    %dma_wait3A_380 = arith.constant 0 : i32
    %dma_wait3A_381 = tpu.memref_slice %arg4[%add3A_372, %dma_wait3A_380] : memref<3200000x16xf32, #tpu.memory_space<hbm>> -> memref<2000x16xf32, #tpu.memory_space<hbm>>
    %dma_wait3A_382 = arith.constant 0 : i32
    %dma_wait3A_383 = arith.constant 0 : i32
    %dma_wait3A_384 = tpu.memref_slice %arg6[%dma_wait3A_373, %dma_wait3A_382, %dma_wait3A_383] : memref<3x2000x16xf32, #tpu.memory_space<vmem>> -> memref<1x2000x16xf32, #tpu.memory_space<vmem>>
    %dma_wait3A_385 = tpu.memref_squeeze %dma_wait3A_384 : memref<1x2000x16xf32, #tpu.memory_space<vmem>> -> memref<2000x16xf32, #tpu.memory_space<vmem>>
    tpu.wait_dma2 semaphore(%arg14 : memref<!tpu.dma_semaphore, #tpu.memory_space<semaphore_mem>>) src(%dma_wait3A_385 : memref<2000x16xf32, #tpu.memory_space<vmem>>) dst(%dma_wait3A_381 : memref<2000x16xf32, #tpu.memory_space<hbm>>)
    return
  }
}

</mosaic_0001>

<sc_bundles>
// kernel: _gather_sc.3.cloned.1.call-start
scs
__scs_entry_jumppad:
0x0: {  	(pc) =	sbr.rel $0x88, $3  }
0x1: {  	(tag) =	ssettag $0x0;
	lr =	simm.s32 $0x1  }
0x2: {  	[smem:$0x3F9F] =	sst lr;
	_ =	strace $0xD0000000  }
0x3: {  	_ = 	snop  }
0x4: {  	_ = 	snop  }
0x5: {  	_ = 	snop  }
0x6: {  	_ = 	snop  }
0x7: {  	_ = 	snop  }
__scs_overlays_trampoline_lowered:
0x8: {  	[smem:$0x3FAE] =	sst s0  }
0x9: {  	[smem:$0x3FAF] =	sst s1  }
0xa: {  	[smem:$0x3FB0] =	sst s2  }
0xb: {  	[smem:$0x3FB1] =	sst s3  }
0xc: {  	[smem:$0x3FB2] =	sst s4  }
0xd: {  	[smem:$0x3FB3] =	sst s5  }
0xe: {  	[smem:$0x3FB4] =	sst s6  }
0xf: {  	[smem:$0x3FB5] =	sst s7  }
0x10: {  	[smem:$0x3FB6] =	sst s8  }
0x11: {  	[smem:$0x3FB7] =	sst s9;
	s0 =	simm.s32 @!p0 $0x0  }
0x12: {  	s1 =	sld [smem:$0x3F9D];
	s0 =	simm.s32 @p0 $0x1  }
0x13: {  	[smem:$0x3FB8] =	sst s0;
	s0 =	simm.s32 @!p1 $0x0  }
0x14: {  	s2 =	sld [smem:$0x3F9C];
	s0 =	simm.s32 @p1 $0x1  }
0x15: {  	[smem:$0x3FB9] =	sst s0;
	s0 =	simm.s32 @!p2 $0x0  }
0x16: {  	s3 =	sld [smem:$0x3FDB];
	s0 =	simm.s32 @p2 $0x1  }
0x17: {  	s4 =	simm.s32 $0x1BF5;
	[smem:$0x3FBB] =	sst s0  }
0x18: {  	s0 =	sld [smem:$0x3F9E];
	_ =	swait.ge [sflag:s4], $0x0  }
0x19: {  	s7 =	sld [smem:$0x3F9F]  }
0x1a: {  	s8 =	sadd.s32 $0xFFFFE003, lr  }
0x1b: {  	s9 =	sadd.s32 $0xFFFFFEF7, lr;
	s5 =	simm.s32 $0xFFFFFFFF;
	p2 =	slt.u32 s8, $0xFFFFF086  }
0x1c: {  	p1 =	slt.u32 s9, $0xF7A;
	s5 =	simm.s32 @!p2 $0x0  }
0x1d: {  	s5 =	simm.s32 @p1 $0x1;
	p0 =	seq.s32 s7, s2  }
0x1e: {  	s7 =	smul.u32 @!p0 $0xF7A, s2;
	p2 =	seq.s32 @!p0 s5, $0x0  }
0x1f: {  	s9 =	smul.u32 $0xF7A, s1;
	s8 =	simm.s32 @!p0 $0x1BF5;
	p2 =	por !p2, p0  }
0x20: {  	[sflag:s8] =	ssyncset.s32 @!p0 $0xFFFFF086;
	s6 =	sadd.s32 @!p0 s3, s7;
	s7 =	simm.s32 @!p0 $0x108  }
0x21: {  	s3 =	sadd.s32 s3, s9;
	s6 =	sadd.s32 @!p0 $0x88, s6;
	s7 =	simm.s32 @p2 $0x1082  }
0x22: {  	[simem:s7], [sflag:s8] =	dma.local @!p0 [hbm:s6], $0xF7A  }
0x23: {  	s9 =	sor.u32 $0xD0000000, s2;
	s6 =	simm.s32 $0x108;
	_ =	swait.ge @!p0 [sflag:s8], $0x0  }
0x24: {  	s3 =	sadd.s32 $0x88, s3;
	s6 =	simm.s32 @!p1 $0x1082;
	[sflag:s4] =	ssyncset.s32 $0xFFFFF086  }
0x25: {  	[simem:s6], [sflag:s4] =	dma.local [hbm:s3], $0xF7A  }
0x26: {  	[smem:$0x3F9F] =	sst s1;
	(tag) =	ssettag s2;
	_ =	strace s9  }
0x27: {  	s1 =	sld [smem:$0x3FAF]  }
0x28: {  	s2 =	sld [smem:$0x3FB0]  }
0x29: {  	s4 =	sld [smem:$0x3FB2]  }
0x2a: {  	p0 =	seq.s32 s5, $0x0;
	s5 =	sld [smem:$0x3FB3]  }
0x2b: {  	s6 =	sld [smem:$0x3FB4]  }
0x2c: {  	s7 =	sld [smem:$0x3FB5]  }
0x2d: {  	s3 =	simm.s32 $0x108;
	s8 =	sld [smem:$0x3FB6]  }
0x2e: {  	s3 =	simm.s32 @!p0 $0x1082;
	s9 =	sld [smem:$0x3FB7]  }
0x2f: {  	lr =	sadd.s32 s0, s3;
	s0 =	sld [smem:$0x3FAE]  }
0x30: {  	s3 =	sld [smem:$0x3FB1]  }
0x31: {  	[smem:$0x3FBA] =	sst s10  }
0x32: {  	s10 =	sld [smem:$0x3FB8];
	_ =	sdelay $0x3  }
0x33: {  	p0 =	seq.s32 s10, $0x1;
	s10 =	sld [smem:$0x3FBA];
	_ =	sdelay $0x3  }
0x34: {  	[smem:$0x3FBA] =	sst s10  }
0x35: {  	s10 =	sld [smem:$0x3FB9];
	_ =	sdelay $0x3  }
0x36: {  	p1 =	seq.s32 s10, $0x1;
	s10 =	sld [smem:$0x3FBA];
	_ =	sdelay $0x3  }
0x37: {  	[smem:$0x3FBA] =	sst s10  }
0x38: {  	s10 =	sld [smem:$0x3FBB]  }
0x39: {  	_ = 	snop;
	(pc) =	sbr.ind lr, $3  }
0x3a: {  	_ = 	snop  }
0x3b: {  	_ = 	snop  }
0x3c: {  	p2 =	seq.s32 s10, $0x1;
	s10 =	sld [smem:$0x3FBA]  }
0x3d: {  	_ =	shalt  }
0x3e: {  	_ =	shalt  }
0x3f: {  	_ =	shalt  }
0x40: {  	_ =	shalt  }
0x41: {  	_ =	shalt  }
0x42: {  	_ =	shalt  }
0x43: {  	_ =	shalt  }
0x44: {  	_ =	shalt  }
0x45: {  	_ =	shalt  }
0x46: {  	_ =	shalt  }
0x47: {  	_ =	shalt  }
0x48: {  	_ =	shalt  }
0x49: {  	_ =	shalt  }
0x4a: {  	_ =	shalt  }
0x4b: {  	_ =	shalt  }
0x4c: {  	_ =	shalt  }
0x4d: {  	_ =	shalt  }
0x4e: {  	_ =	shalt  }
0x4f: {  	_ =	shalt  }
0x50: {  	_ =	shalt  }
0x51: {  	_ =	shalt  }
0x52: {  	_ =	shalt  }
0x53: {  	_ =	shalt  }
0x54: {  	_ =	shalt  }
0x55: {  	_ =	shalt  }
0x56: {  	_ =	shalt  }
0x57: {  	_ =	shalt  }
0x58: {  	_ =	shalt  }
0x59: {  	_ =	shalt  }
0x5a: {  	_ =	shalt  }
0x5b: {  	_ =	shalt  }
0x5c: {  	_ =	shalt  }
0x5d: {  	_ =	shalt  }
0x5e: {  	_ =	shalt  }
0x5f: {  	_ =	shalt  }
0x60: {  	_ =	shalt  }
0x61: {  	_ =	shalt  }
0x62: {  	_ =	shalt  }
0x63: {  	_ =	shalt  }
0x64: {  	_ =	shalt  }
0x65: {  	_ =	shalt  }
0x66: {  	_ =	shalt  }
0x67: {  	_ =	shalt  }
0x68: {  	_ =	shalt  }
0x69: {  	_ =	shalt  }
0x6a: {  	_ =	shalt  }
0x6b: {  	_ =	shalt  }
0x6c: {  	_ =	shalt  }
0x6d: {  	_ =	shalt  }
0x6e: {  	_ =	shalt  }
0x6f: {  	_ =	shalt  }
0x70: {  	_ =	shalt  }
0x71: {  	_ =	shalt  }
0x72: {  	_ =	shalt  }
0x73: {  	_ =	shalt  }
0x74: {  	_ =	shalt  }
0x75: {  	_ =	shalt  }
0x76: {  	_ =	shalt  }
0x77: {  	_ =	shalt  }
0x78: {  	_ =	shalt  }
0x79: {  	_ =	shalt  }
0x7a: {  	_ =	shalt  }
0x7b: {  	_ =	shalt  }
0x7c: {  	_ =	shalt  }
0x7d: {  	_ =	shalt  }
0x7e: {  	_ =	shalt  }
0x7f: {  	_ =	shalt  }
0x80: {  	_ =	shalt  }
0x81: {  	_ =	shalt  }
0x82: {  	_ =	shalt  }
0x83: {  	_ =	shalt  }
0x84: {  	_ =	shalt  }
0x85: {  	_ =	shalt  }
0x86: {  	_ =	shalt  }
0x87: {  	_ =	shalt  }
.Lfunc_end0:
.L_simem_size_0:
called_computation.1_lowered:
.L_overlay_start_0:
0x88: {  	s2 =	sld [smem:$0x3FD9]  }
0x89: {  	s3 =	sld [smem:$0x3FFE];
	_ =	sdelay $0x1  }
0x8a: {  	s1 =	srdreg.scid  }
0x8b: {  	s0 =	sand.u32 $0x1, s1  }
0x8c: {  	s17 =	sshll.u32 s0, $0xA;
	s2 =	sadd.s32 s3, s2  }
0x8d: {  	s2 =	sadd.s32 s2, s17  }
0x8e: {  	[smem:$0x3FC6] =	sst s2  }
0x8f: {  	_ = 	snop  }
0x90: {  	s2 =	sld [smem:$0x3FC9]  }
0x91: {  	s18 =	sld [smem:$0x3FD0];
	(tm) =	ssettm $0x1  }
0x92: {  	s4 =	sld [smem:$0x3FFB];
	_ =	sdelay $0x3  }
0x93: {  	_ =	strace s4  }
0x94: {  	s4 =	sld [smem:$0x3FFC];
	_ =	sdelay $0x3  }
0x95: {  	_ =	strace s4  }
0x96: {  	s4 =	sld [smem:$0x3FFD];
	_ =	sdelay $0x3  }
0x97: {  	_ =	strace s4  }
0x98: {  	_ =	strace $0x8FFFFFFF  }
0x99: {  	s19 =	sld [smem:$0x3FDB];
	_ =	sdelay $0x1  }
0x9a: {  	s5 =	simm.s32 $_scs_section_size  }
0x9b: {  	s6 =	simm.s32 $_size__tile_overlayer_lowered;
	s7 =	simm.s32 $_tile_overlayer_lowered  }
0x9c: {  	s22 =	simm.s32 $0x1BFF;
	s21 =	sshll.u32 s7, $0x1;
	s4 =	sadd.s32 s5, s19  }
0x9d: {  	s8 =	simm.s32 $0x0;
	s20 =	sshll.u32 s6, $0x1;
	s6 =	sadd.s32 s21, s4  }
0x9e: {  	[timem:s8], [sflag:s22] =	dma.local [hbm:s6], s20  }
0x9f: {  	_ =	swait.ge [sflag:s22], s20  }
0xa0: {  	s5 =	ssub.s32 $0x0, s20;
	[sflag:s22] =	ssyncset.done $0x0  }
0xa1: {  	[sflag:s22] =	ssyncadd.s32 s5;
	_ =	sdelay $0x1  }
0xa2: {  	s23 =	simm.s32 $0x1B8B  }
0xa3: {  	_ =	swait.ge [sflag:s23], $0x1  }
0xa4: {  	[sflag:s23] =	ssyncset.done $0x0  }
0xa5: {  	s25 =	simm.s32 $0x1B8E;
	s24 =	sld [smem:$0x3FFE];
	[sflag:s23] =	ssyncadd.s32 $0xFFFFFFFF  }
0xa6: {  	s26 =	simm.s32 $execute0_lowered;
	[smem:$0x3FD2] =	sst s25  }
0xa7: {  	s6 =	sshll.u32 s26, $0x1;
	_ =	strace $0x80000046;
	[dreg:$0x1] =	wrdreg $0xFFFFFFFF  }
0xa8: {  	s28 =	simm.s32 $_size_execute0_lowered;
	s4 =	sadd.s32 s4, s6;
	[dreg:$0x0] =	wrdreg $0x0  }
0xa9: {  	s6 =	sshll.u32 s28, $0x1;
	[dreg:$0x2] =	wrdreg s4  }
0xaa: {  	[dreg:$0x3] =	wrdreg s6  }
0xab: {  	[dreg:$0x4] =	wrdreg $0xC0  }
0xac: {  	_ =	task [dreg:s8], $0x5FFFF  }
0xad: {  	[dreg:$0x1] =	wrdreg $0xFFFFFFFF  }
0xae: {  	[dreg:$0x0] =	wrdreg $0x60  }
0xaf: {  	[dreg:$0x2] =	wrdreg s2  }
0xb0: {  	[dreg:$0x3] =	wrdreg s24  }
0xb1: {  	[dreg:$0x4] =	wrdreg s18  }
0xb2: {  	[dreg:$0x5] =	wrdreg $0x9  }
0xb3: {  	_ =	task.clear_ibuf [dreg:s8], $0x6FFFF;
	_ =	strace $0x90000046  }
0xb4: {  	s29 =	simm.s32 $0x9;
	_ =	strace $0x80000048  }
0xb5: {  	_ =	swait.ge [sflag:s29], $0x1  }
0xb6: {  	[sflag:s29] =	ssyncadd.s32 $0xFFFFFFFF  }
0xb7: {  	_ =	strace $0x90000048  }
0xb8: {  	_ =	sfence  }
0xb9: {  	s30 =	sld [smem:$0x0];
	_ =	sdelay $0x2  }
0xba: {  	s31 =	sshll.u32 s1, $0xD;
	s1 =	sshrl.u32 s1, $0x2  }
0xbb: {  	s3 =	sand.u32 $0x4000, s31;
	s1 =	sadd.s32 s1, s30  }
0xbc: {  	s0 =	sor.u32 s3, s0;
	s1 =	sshll.u32 s1, $0x11  }
0xbd: {  	s0 =	sor.u32 s1, s0  }
0xbe: {  	s0 =	sadd.s32 $0x8F2B, s0  }
0xbf: {  	[sflag:s0] =	ssyncadd.remote.s32 $0x1  }
0xc0: {  	_ =	sfence.sel $0xFFFF  }
0xc1: {  	[dreg:$0x0] =	wrdreg $0xFFFFFFFF;
	(pc) =	sbr.abs _section_cstart, $3  }
0xc2: {  	[dreg:$0x1] =	wrdreg $0xFFFFFFFF  }
0xc3: {  	_ =	task.clear_ibuf [dreg:s8], $0x2FFFF;
	_ =	strace $0x9FFFFFFF  }
0xc4: {  	(tm) =	ssettm $0x7FFFFFFF  }
0xc5: {  	_ =	shalt  }
tec
execute0_lowered:
.L_overlay_start_1:
0x0: {  	(tag) =	ssettag $0x1  }
0x1: {  	s0 =	rddreg [dreg:$0x0]  }
0x2: {  	s1 =	rddreg [dreg:$0x1]  }
0x3: {  	s5 =	rddreg [dreg:$0x2]  }
0x4: {  	s2 =	srdreg.scid;
	s11 =	stileid.u32  }
0x5: {  	s28 =	simm.s32 $0x4;
	s29 =	simm.s32 $0x3;
	s16 =	smul.u32 $0x30D40, s11  }
0x6: {  	s30 =	simm.s32 $0x11170;
	s6 =	sand.u32 $0x1, s2;
	s22 =	smul.u32 $0x61A80, s11  }
0x7: {  	s3 =	sshll.u32 s11, $0x1;
	s2 =	simm.s32 $0x0;
	s17 =	smul.u32 $0x186A0, s6  }
0x8: {  	s4 =	ssub.s32 $0x2, s6;
	s7 =	sor.u32 s6, s3;
	s6 =	smul.u32 $0x30D40, s6  }
0x9: {  	s31 =	simm.s32 $0x5;
	[smem:$0x7FF] =	sst s2;
	s9 =	smul.u32 $0x186A0, s7  }
0xa: {  	s3 =	sadd.s32 $0xF42C00, s1;
	s8 =	sshrl.u32 s4, $0x1;
	s13 =	smul.u32 $0x30D40, s7  }
0xb: {  	_ =	strace $0x80000047;
	s7 =	smul.u32 $0x186A00, s7;
	s26 =	ssub.s32 s4, s8  }
0xc: {  	s20 =	sadd.s32 s17, s16;
	s10 =	sshrl.u32 s9, $0x3;
	s12 =	sadd.s32 $0x7D0, s9  }
0xd: {  	s9 =	sadd.s32 s5, s13;
	s7 =	sshrl.u32 s7, $0x3;
	s1 =	smax.u32 s26, $0x1  }
0xe: {  	s4 =	sadd.s32 s0, s10;
	s10 =	sshrl.u32 s12, $0x3;
	[dreg:$0x7] =	wrdreg s9  }
0xf: {  	s21 =	sadd.s32 $0x36B0, s20;
	[dreg:$0xd] =	wrdreg s1;
	s10 =	sadd.s32 s0, s10  }
0x10: {  	s25 =	sshll.u32 s20, $0x1;
	s14 =	sadd.s32 $0x1F4, s4;
	[dreg:$0x4] =	wrdreg s10  }
0x11: {  	s8 =	sshll.u32 s12, $0x1;
	s15 =	sadd.s32 $0x2EE, s4;
	[dreg:$0x5] =	wrdreg s14  }
0x12: {  	s7 =	sadd.s32 s5, s7;
	s12 =	sadd.s32 $0x3E8, s4;
	[dreg:$0x6] =	wrdreg s15  }
0x13: {  	s1 =	sshrl.u32 s21, $0x3;
	s8 =	sadd.s32 s5, s8;
	[dreg:$0x8] =	wrdreg s12  }
0x14: {  	s9 =	sadd.s32 $0x2EE0, s20;
	s18 =	sadd.s32 $0x2DE60, s7;
	[dreg:$0x9] =	wrdreg s8  }
0x15: {  	s26 =	sadd.s32 $0x20001F40, s25;
	s19 =	sadd.s32 $0x2EE00, s7;
	[dreg:$0xa] =	wrdreg s18  }
0x16: {  	s21 =	simm.s32 $0x7D0;
	s7 =	sadd.s32 $0x2FDA0, s7;
	[dreg:$0xb] =	wrdreg s19  }
0x17: {  	s23 =	sshrl.u32 s9, $0x3;
	[dreg:$0xc] =	wrdreg s7;
	s15 =	sadd.s32 s1, s0  }
0x18: {  	s8 =	sadd.s32 s22, s5;
	s16 =	sadd.s32 s23, s0;
	s7 =	sadd.s32 $0x2710, s20  }
0x19: {  	s1 =	sand.u32 $0x1FFFFC0, s26;
	s22 =	simm.s32 $0xFA0;
	s23 =	simm.s32 $0x1  }
0x1a: {  	s26 =	simm.s32 $0x9470;
	s24 =	sadd.s32 s6, s8;
	s7 =	sshrl.u32 s7, $0x3  }
0x1b: {  	s6 =	sadd.s32 s5, s25;
	s18 =	sadd.s32 s1, s5;
	s25 =	simm.s32 $0x2  }
0x1c: {  	s1 =	simm.s32 $0x6;
	s5 =	simm.s32 $0x8;
	s12 =	sadd.s32 $0x3E80, s24  }
0x1d: {  	s19 =	sadd.s32 s7, s0;
	s20 =	sadd.s32 $0x2EE0, s6;
	s24 =	simm.s32 $0x1770  }
0x1e: {  	s0 =	simm.s32 $0x7;
	s6 =	simm.s32 $0x9;
	s7 =	simm.s32 $0x0  }
.LBB2_1:
0x1f: {  	[tilespmem:s2], [sflag:$0x1] =	stream.linear.gather [hbm4b:s4+s2], $0x7D0, $0x38;
	[tilespmem:$0x18E70] =	vst v63  }
0x20: {  	s8 =	rddreg [dreg:$0x4]  }
0x21: {  	[tilespmem:s21], [sflag:$0x2] =	stream.linear.gather [hbm4b:s8+s2], $0x7D0, $0x38;
	[tilespmem:$0x18E70] =	vst v63  }
0x22: {  	s14 =	rddreg [dreg:$0x5]  }
0x23: {  	[tilespmem:s22], [sflag:$0x3] =	stream.linear.gather [hbm4b:s14+s2], $0x7D0, $0x38;
	[tilespmem:$0x18E70] =	vst v63  }
0x24: {  	_ =	swait.ge [sflag:s23], $0x7D0  }
0x25: {  	[sflag:s23] =	ssyncset.done $0x0  }
0x26: {  	[sflag:s23] =	ssyncadd.s32 $0xFFFFF830  }
0x27: {  	[tilespmem:s24], [sflag:$0x4] =	stream.indirect.gather [hbm4b:s3+s21], $0x10, s2, s21, $0xb8;
	[tilespmem:$0x18E70] =	vst v63  }
0x28: {  	_ =	swait.ge [sflag:s25], $0x7D0  }
0x29: {  	[sflag:s25] =	ssyncset.done $0x0  }
0x2a: {  	[sflag:s25] =	ssyncadd.s32 $0xFFFFF830  }
0x2b: {  	[tilespmem:s26], [sflag:$0x5] =	stream.indirect.gather [hbm4b:s3+s21], $0x10, s21, s21, $0xb8;
	[tilespmem:$0x18E70] =	vst v63  }
0x2c: {  	_ =	swait.ge [sflag:s28], $0x7D00  }
0x2d: {  	[sflag:s28] =	ssyncset.done $0x0  }
0x2e: {  	s17 =	rddreg [dreg:$0x6];
	[sflag:s28] =	ssyncadd.s32 $0xFFFF8300  }
0x2f: {  	[tilespmem:s2], [sflag:$0x1] =	stream.linear.gather [hbm4b:s17+s2], $0x7D0, $0x38;
	[tilespmem:$0x18E70] =	vst v63  }
0x30: {  	s9 =	rddreg [dreg:$0x7]  }
0x31: {  	[hbm4b:s9+s2] =	stream.linear.scatter [tilespmem:s24], [sflag:$0x7], $0x7D00, $0x38;
	[tilespmem:$0x18E70] =	vst v63  }
0x32: {  	_ =	swait.ge [sflag:s29], $0x7D0  }
0x33: {  	[sflag:s29] =	ssyncset.done $0x0  }
0x34: {  	[sflag:s29] =	ssyncadd.s32 $0xFFFFF830  }
0x35: {  	[tilespmem:s30], [sflag:$0x6] =	stream.indirect.gather [hbm4b:s3+s21], $0x10, s22, s21, $0xb8;
	[tilespmem:$0x18E70] =	vst v63  }
0x36: {  	_ =	swait.ge [sflag:s31], $0x7D00  }
0x37: {  	[sflag:s31] =	ssyncset.done $0x0  }
0x38: {  	s10 =	rddreg [dreg:$0x8];
	[sflag:s31] =	ssyncadd.s32 $0xFFFF8300  }
0x39: {  	[tilespmem:s21], [sflag:$0x2] =	stream.linear.gather [hbm4b:s10+s2], $0x7D0, $0x38;
	[tilespmem:$0x18E70] =	vst v63  }
0x3a: {  	s11 =	rddreg [dreg:$0x9]  }
0x3b: {  	[hbm4b:s11+s2] =	stream.linear.scatter [tilespmem:s26], [sflag:$0x8], $0x7D00, $0x38;
	[tilespmem:$0x18E70] =	vst v63  }
0x3c: {  	_ =	swait.ge [sflag:s23], $0x7D0  }
0x3d: {  	[sflag:s23] =	ssyncset.done $0x0  }
0x3e: {  	[sflag:s23] =	ssyncadd.s32 $0xFFFFF830  }
0x3f: {  	_ =	swait.ge [sflag:s0], $0x7D00  }
0x40: {  	[sflag:s0] =	ssyncset.done $0x0  }
0x41: {  	[sflag:s0] =	ssyncadd.s32 $0xFFFF8300  }
0x42: {  	[tilespmem:s24], [sflag:$0x4] =	stream.indirect.gather [hbm4b:s3+s21], $0x10, s2, s21, $0xb8;
	[tilespmem:$0x18E70] =	vst v63  }
0x43: {  	_ =	swait.ge [sflag:s1], $0x7D00  }
0x44: {  	[sflag:s1] =	ssyncset.done $0x0  }
0x45: {  	s13 =	sadd.s32 $0x0, s19;
	[sflag:s1] =	ssyncadd.s32 $0xFFFF8300  }
0x46: {  	[tilespmem:s22], [sflag:$0x3] =	stream.linear.gather [hbm4b:s13+s2], $0x7D0, $0x38;
	[tilespmem:$0x18E70] =	vst v63  }
0x47: {  	_ = 	snop  }
0x48: {  	[hbm4b:s18+s2] =	stream.linear.scatter [tilespmem:s30], [sflag:$0x9], $0x7D00, $0x38;
	[tilespmem:$0x18E70] =	vst v63  }
0x49: {  	_ =	swait.ge [sflag:s25], $0x7D0  }
0x4a: {  	[sflag:s25] =	ssyncset.done $0x0  }
0x4b: {  	[sflag:s25] =	ssyncadd.s32 $0xFFFFF830  }
0x4c: {  	_ =	swait.ge [sflag:s5], $0x7D00  }
0x4d: {  	[sflag:s5] =	ssyncset.done $0x0  }
0x4e: {  	[sflag:s5] =	ssyncadd.s32 $0xFFFF8300  }
0x4f: {  	[tilespmem:s26], [sflag:$0x5] =	stream.indirect.gather [hbm4b:s3+s21], $0x10, s21, s21, $0xb8;
	[tilespmem:$0x18E70] =	vst v63  }
0x50: {  	_ =	swait.ge [sflag:s28], $0x7D00  }
0x51: {  	[sflag:s28] =	ssyncset.done $0x0  }
0x52: {  	s14 =	sadd.s32 $0x0, s16;
	[sflag:s28] =	ssyncadd.s32 $0xFFFF8300  }
0x53: {  	[tilespmem:s2], [sflag:$0x1] =	stream.linear.gather [hbm4b:s14+s2], $0x7D0, $0x38;
	[tilespmem:$0x18E70] =	vst v63  }
0x54: {  	_ = 	snop  }
0x55: {  	[hbm4b:s20+s2] =	stream.linear.scatter [tilespmem:s24], [sflag:$0x7], $0x7D00, $0x38;
	[tilespmem:$0x18E70] =	vst v63  }
0x56: {  	_ =	swait.ge [sflag:s29], $0x7D0  }
0x57: {  	[sflag:s29] =	ssyncset.done $0x0  }
0x58: {  	[sflag:s29] =	ssyncadd.s32 $0xFFFFF830  }
0x59: {  	_ =	swait.ge [sflag:s6], $0x7D00  }
0x5a: {  	[sflag:s6] =	ssyncset.done $0x0  }
0x5b: {  	[sflag:s6] =	ssyncadd.s32 $0xFFFF8300  }
0x5c: {  	[tilespmem:s30], [sflag:$0x6] =	stream.indirect.gather [hbm4b:s3+s21], $0x10, s22, s21, $0xb8;
	[tilespmem:$0x18E70] =	vst v63  }
0x5d: {  	_ =	swait.ge [sflag:s31], $0x7D00  }
0x5e: {  	s8 =	simm.s32 $0x2EE;
	[sflag:s31] =	ssyncset.done $0x0  }
0x5f: {  	s17 =	sadd.s32 $0x0, s15;
	s9 =	sadd.s32 $0x2EE0, s12;
	[sflag:s31] =	ssyncadd.s32 $0xFFFF8300  }
0x60: {  	[tilespmem:s21], [sflag:$0x2] =	stream.linear.gather [hbm4b:s17+s2], $0x7D0, $0x38;
	[tilespmem:$0x18E70] =	vst v63  }
0x61: {  	s10 =	sadd.s32 $0x2EE0, s18;
	s11 =	sadd.s32 $0x2EE0, s20;
	s17 =	smov.u32 s12  }
.LBB2_2:
0x62: {  	[hbm4b:s17+s2] =	stream.linear.scatter [tilespmem:s26], [sflag:$0x8], $0x7D00, $0x38;
	[tilespmem:$0x18E70] =	vst v63  }
0x63: {  	s13 =	smov.u32 s8;
	s17 =	smov.u32 s9  }
0x64: {  	p0 =	sne.s32 s8, $0x2904;
	s8 =	sadd.s32 $0x2EE, s8;
	_ =	swait.ge [sflag:s23], $0x7D0  }
0x65: {  	[sflag:s23] =	ssyncset.done $0x0  }
0x66: {  	[sflag:s23] =	ssyncadd.s32 $0xFFFFF830  }
0x67: {  	_ =	swait.ge [sflag:s0], $0x7D00  }
0x68: {  	[sflag:s0] =	ssyncset.done $0x0  }
0x69: {  	[sflag:s0] =	ssyncadd.s32 $0xFFFF8300  }
0x6a: {  	[tilespmem:s24], [sflag:$0x4] =	stream.indirect.gather [hbm4b:s3+s21], $0x10, s2, s21, $0xb8;
	[tilespmem:$0x18E70] =	vst v63  }
0x6b: {  	_ =	swait.ge [sflag:s1], $0x7D00  }
0x6c: {  	[sflag:s1] =	ssyncset.done $0x0  }
0x6d: {  	s14 =	sadd.s32 s13, s19;
	[sflag:s1] =	ssyncadd.s32 $0xFFFF8300  }
0x6e: {  	[tilespmem:s22], [sflag:$0x3] =	stream.linear.gather [hbm4b:s14+s2], $0x7D0, $0x38;
	[tilespmem:$0x18E70] =	vst v63  }
0x6f: {  	_ = 	snop  }
0x70: {  	[hbm4b:s10+s2] =	stream.linear.scatter [tilespmem:s30], [sflag:$0x9], $0x7D00, $0x38;
	[tilespmem:$0x18E70] =	vst v63  }
0x71: {  	_ =	swait.ge [sflag:s25], $0x7D0  }
0x72: {  	[sflag:s25] =	ssyncset.done $0x0  }
0x73: {  	[sflag:s25] =	ssyncadd.s32 $0xFFFFF830  }
0x74: {  	_ =	swait.ge [sflag:s5], $0x7D00  }
0x75: {  	[sflag:s5] =	ssyncset.done $0x0  }
0x76: {  	[sflag:s5] =	ssyncadd.s32 $0xFFFF8300  }
0x77: {  	[tilespmem:s26], [sflag:$0x5] =	stream.indirect.gather [hbm4b:s3+s21], $0x10, s21, s21, $0xb8;
	[tilespmem:$0x18E70] =	vst v63  }
0x78: {  	_ =	swait.ge [sflag:s28], $0x7D00  }
0x79: {  	[sflag:s28] =	ssyncset.done $0x0  }
0x7a: {  	s14 =	sadd.s32 s13, s16;
	[sflag:s28] =	ssyncadd.s32 $0xFFFF8300  }
0x7b: {  	[tilespmem:s2], [sflag:$0x1] =	stream.linear.gather [hbm4b:s14+s2], $0x7D0, $0x38;
	[tilespmem:$0x18E70] =	vst v63  }
0x7c: {  	_ = 	snop  }
0x7d: {  	[hbm4b:s11+s2] =	stream.linear.scatter [tilespmem:s24], [sflag:$0x7], $0x7D00, $0x38;
	[tilespmem:$0x18E70] =	vst v63  }
0x7e: {  	_ =	swait.ge [sflag:s29], $0x7D0  }
0x7f: {  	[sflag:s29] =	ssyncset.done $0x0  }
0x80: {  	[sflag:s29] =	ssyncadd.s32 $0xFFFFF830  }
0x81: {  	_ =	swait.ge [sflag:s6], $0x7D00  }
0x82: {  	[sflag:s6] =	ssyncset.done $0x0  }
0x83: {  	[sflag:s6] =	ssyncadd.s32 $0xFFFF8300  }
0x84: {  	[tilespmem:s30], [sflag:$0x6] =	stream.indirect.gather [hbm4b:s3+s21], $0x10, s22, s21, $0xb8;
	[tilespmem:$0x18E70] =	vst v63  }
.Ltmp0:
0x85: {  	_ =	swait.ge [sflag:s31], $0x7D00;
	(pc) =	sbr.rel @p0 .LBB2_2-.Ltmp0, $4  }
0x86: {  	[sflag:s31] =	ssyncset.done $0x0  }
0x87: {  	s13 =	sadd.s32 s13, s15;
	[sflag:s31] =	ssyncadd.s32 $0xFFFF8300  }
0x88: {  	[tilespmem:s21], [sflag:$0x2] =	stream.linear.gather [hbm4b:s13+s2], $0x7D0, $0x38;
	[tilespmem:$0x18E70] =	vst v63  }
0x89: {  	s9 =	sadd.s32 $0x2EE0, s9;
	s10 =	sadd.s32 $0x2EE0, s10;
	s11 =	sadd.s32 $0x2EE0, s11  }
0x8a: {  	[hbm4b:s17+s2] =	stream.linear.scatter [tilespmem:s26], [sflag:$0x8], $0x7D00, $0x38;
	[tilespmem:$0x18E70] =	vst v63  }
0x8b: {  	_ =	swait.ge [sflag:s23], $0x7D0  }
0x8c: {  	[sflag:s23] =	ssyncset.done $0x0  }
0x8d: {  	[sflag:s23] =	ssyncadd.s32 $0xFFFFF830  }
0x8e: {  	_ =	swait.ge [sflag:s0], $0x7D00  }
0x8f: {  	[sflag:s0] =	ssyncset.done $0x0  }
0x90: {  	[sflag:s0] =	ssyncadd.s32 $0xFFFF8300  }
0x91: {  	[tilespmem:s24], [sflag:$0x4] =	stream.indirect.gather [hbm4b:s3+s21], $0x10, s2, s21, $0xb8;
	[tilespmem:$0x18E70] =	vst v63  }
0x92: {  	_ =	swait.ge [sflag:s1], $0x7D00  }
0x93: {  	[sflag:s1] =	ssyncset.done $0x0  }
0x94: {  	s8 =	rddreg [dreg:$0xa];
	[sflag:s1] =	ssyncadd.s32 $0xFFFF8300  }
0x95: {  	[hbm4b:s8+s2] =	stream.linear.scatter [tilespmem:s30], [sflag:$0x9], $0x7D00, $0x38;
	[tilespmem:$0x18E70] =	vst v63  }
0x96: {  	_ =	swait.ge [sflag:s25], $0x7D0  }
0x97: {  	[sflag:s25] =	ssyncset.done $0x0  }
0x98: {  	[sflag:s25] =	ssyncadd.s32 $0xFFFFF830  }
0x99: {  	_ =	swait.ge [sflag:s5], $0x7D00  }
0x9a: {  	[sflag:s5] =	ssyncset.done $0x0  }
0x9b: {  	[sflag:s5] =	ssyncadd.s32 $0xFFFF8300  }
0x9c: {  	[tilespmem:s26], [sflag:$0x5] =	stream.indirect.gather [hbm4b:s3+s21], $0x10, s21, s21, $0xb8;
	[tilespmem:$0x18E70] =	vst v63  }
0x9d: {  	_ =	swait.ge [sflag:s28], $0x7D00  }
0x9e: {  	[sflag:s28] =	ssyncset.done $0x0  }
0x9f: {  	s13 =	rddreg [dreg:$0xb];
	[sflag:s28] =	ssyncadd.s32 $0xFFFF8300  }
0xa0: {  	[hbm4b:s13+s2] =	stream.linear.scatter [tilespmem:s24], [sflag:$0x7], $0x7D00, $0x38;
	[tilespmem:$0x18E70] =	vst v63  }
0xa1: {  	_ =	swait.ge [sflag:s31], $0x7D00  }
0xa2: {  	[sflag:s31] =	ssyncset.done $0x0  }
0xa3: {  	s14 =	rddreg [dreg:$0xc];
	[sflag:s31] =	ssyncadd.s32 $0xFFFF8300  }
0xa4: {  	[hbm4b:s14+s2] =	stream.linear.scatter [tilespmem:s26], [sflag:$0x8], $0x7D00, $0x38;
	[tilespmem:$0x18E70] =	vst v63  }
0xa5: {  	_ =	swait.ge [sflag:s6], $0x7D00  }
0xa6: {  	[sflag:s6] =	ssyncset.done $0x0  }
0xa7: {  	[sflag:s6] =	ssyncadd.s32 $0xFFFF8300  }
0xa8: {  	_ =	swait.ge [sflag:s0], $0x7D00  }
0xa9: {  	[sflag:s0] =	ssyncset.done $0x0  }
0xaa: {  	[sflag:s0] =	ssyncadd.s32 $0xFFFF8300  }
0xab: {  	_ =	swait.ge [sflag:s5], $0x7D00  }
0xac: {  	s7 =	sadd.s32 $0x1, s7;
	s17 =	rddreg [dreg:$0xd]  }
0xad: {  	p0 =	sne.s32 s7, s17  }
.Ltmp1:
0xae: {  	_ = 	snop;
	(pc) =	sbr.rel @p0 .LBB2_1-.Ltmp1, $3  }
0xaf: {  	_ =	sdelay $0x1  }
0xb0: {  	[sflag:s5] =	ssyncset.done $0x0  }
0xb1: {  	[sflag:s5] =	ssyncadd.s32 $0xFFFF8300  }
0xb2: {  	_ =	sfence.sel $0x180000  }
0xb3: {  	[bflag:$0x0] =	sbarrier.arrive $0xFFFF  }
0xb4: {  	_ =	strace $0x90000047  }
0xb5: {  	s0 =	stileid.u32;
	[bflag:$0x2] =	sbarrier.arrive $0xFFFF  }
0xb6: {  	p0 =	sne.s32 s0, $0x0;
	s0 =	rddreg [dreg:$0x3]  }
0xb7: {  	s0 =	sadd.s32 @!p0 $0x100000, s0  }
0xb8: {  	[sflag:s0] =	ssyncadd.tile.s32 @!p0 $0x1;
	_ =	shalt  }
.Lfunc_end2:
_tile_overlayer_lowered:
.L_overlay_start_2:
0xb9: {  	(tag) =	ssettag $0x2  }
0xba: {  	s0 =	rddreg [dreg:$0x0];
	s2 =	stileid.u32  }
0xbb: {  	s1 =	rddreg [dreg:$0x1];
	p0 =	sne.s32 s2, $0x0  }
0xbc: {  	s3 =	rddreg [dreg:$0x2];
	[bflag:$0x3] =	sbarrier.arrive $0xFFFF;
	s2 =	simm.s32 @!p0 $0x1C0A  }
0xbd: {  	[timem:s3], [sflag:s2] =	dma.local @!p0 [hbm:s0], s1  }
0xbe: {  	s0 =	simm.s32 @!p0 $0xA  }
0xbf: {  	_ =	swait.ge @!p0 [sflag:s0], s1  }
0xc0: {  	s1 =	ssub.s32 @!p0 $0x0, s1;
	[sflag:s0] =	ssyncset.done @!p0 $0x0  }
0xc1: {  	[sflag:s0] =	ssyncadd.s32 @!p0 s1  }
0xc2: {  	[bflag:$0x3] =	sbarrier.arrive $0xFFFF  }
0xc3: {  	_ =	shalt  }

// kernel: sparse-core-data-format-call.cloned.1.call-start
scs
called_computation_lowered:
.L_overlay_start_0:
0x0: {  	s2 =	sld [smem:$0x3FD9]  }
0x1: {  	s3 =	sld [smem:$0x3FFE];
	_ =	sdelay $0x1  }
0x2: {  	s1 =	srdreg.scid  }
0x3: {  	s0 =	sand.u32 $0x1, s1  }
0x4: {  	s18 =	sshll.u32 s0, $0xA;
	s2 =	sadd.s32 s3, s2  }
0x5: {  	s2 =	sadd.s32 s2, s18  }
0x6: {  	[smem:$0x3FC6] =	sst s2  }
0x7: {  	_ = 	snop  }
0x8: {  	s2 =	sld [smem:$0x3FD0];
	(tm) =	ssettm $0x1  }
0x9: {  	s19 =	sld [smem:$0x3FFB];
	_ =	sdelay $0x3  }
0xa: {  	_ =	strace s19  }
0xb: {  	s3 =	sld [smem:$0x3FFC];
	_ =	sdelay $0x3  }
0xc: {  	_ =	strace s3  }
0xd: {  	s3 =	sld [smem:$0x3FFD];
	_ =	sdelay $0x3  }
0xe: {  	_ =	strace s3  }
0xf: {  	_ =	strace $0x8FFFFFFF  }
0x10: {  	s20 =	sld [smem:$0x3FDB];
	_ =	sdelay $0x1  }
0x11: {  	s4 =	simm.s32 $_scs_section_size  }
0x12: {  	s5 =	simm.s32 $_size__tile_overlayer_lowered;
	s6 =	simm.s32 $_tile_overlayer_lowered  }
0x13: {  	s23 =	simm.s32 $0x1BFF;
	s22 =	sshll.u32 s6, $0x1;
	s3 =	sadd.s32 s4, s20  }
0x14: {  	s7 =	simm.s32 $0x0;
	s21 =	sshll.u32 s5, $0x1;
	s5 =	sadd.s32 s22, s3  }
0x15: {  	[timem:s7], [sflag:s23] =	dma.local [hbm:s5], s21  }
0x16: {  	_ =	swait.ge [sflag:s23], s21  }
0x17: {  	s4 =	ssub.s32 $0x0, s21;
	[sflag:s23] =	ssyncset.done $0x0  }
0x18: {  	[sflag:s23] =	ssyncadd.s32 s4;
	_ =	sdelay $0x1  }
0x19: {  	s24 =	simm.s32 $0x1B8B  }
0x1a: {  	_ =	swait.ge [sflag:s24], $0x1  }
0x1b: {  	[sflag:s24] =	ssyncset.done $0x0  }
0x1c: {  	s26 =	simm.s32 $0x1B8E;
	s25 =	sld [smem:$0x3FFE];
	[sflag:s24] =	ssyncadd.s32 $0xFFFFFFFF  }
0x1d: {  	s27 =	simm.s32 $execute0_lowered;
	[smem:$0x3FD2] =	sst s26  }
0x1e: {  	s5 =	sshll.u32 s27, $0x1;
	_ =	strace $0x80000049;
	[dreg:$0x1] =	wrdreg $0xFFFFFFFF  }
0x1f: {  	s28 =	simm.s32 $_size_execute0_lowered;
	s3 =	sadd.s32 s3, s5;
	[dreg:$0x0] =	wrdreg $0x0  }
0x20: {  	s5 =	sshll.u32 s28, $0x1;
	[dreg:$0x2] =	wrdreg s3  }
0x21: {  	[dreg:$0x3] =	wrdreg s5  }
0x22: {  	[dreg:$0x4] =	wrdreg $0xC0  }
0x23: {  	_ =	task [dreg:s7], $0x5FFFF  }
0x24: {  	[dreg:$0x1] =	wrdreg $0xFFFFFFFF  }
0x25: {  	[dreg:$0x0] =	wrdreg $0x60  }
0x26: {  	[dreg:$0x2] =	wrdreg s25  }
0x27: {  	[dreg:$0x3] =	wrdreg s2  }
0x28: {  	[dreg:$0x4] =	wrdreg $0x9  }
0x29: {  	_ =	task.clear_ibuf [dreg:s7], $0x5FFFF;
	_ =	strace $0x90000049  }
0x2a: {  	s29 =	simm.s32 $0x9;
	_ =	strace $0x8000004B  }
0x2b: {  	_ =	swait.ge [sflag:s29], $0x1  }
0x2c: {  	[sflag:s29] =	ssyncadd.s32 $0xFFFFFFFF  }
0x2d: {  	_ =	strace $0x9000004B  }
0x2e: {  	_ =	sfence  }
0x2f: {  	s30 =	sld [smem:$0x0];
	_ =	sdelay $0x2  }
0x30: {  	s31 =	sshll.u32 s1, $0xD;
	s1 =	sshrl.u32 s1, $0x2  }
0x31: {  	s3 =	sand.u32 $0x4000, s31;
	s1 =	sadd.s32 s1, s30  }
0x32: {  	s0 =	sor.u32 s3, s0;
	s1 =	sshll.u32 s1, $0x11  }
0x33: {  	s0 =	sor.u32 s1, s0  }
0x34: {  	s0 =	sadd.s32 $0x8F2B, s0  }
0x35: {  	[sflag:s0] =	ssyncadd.remote.s32 $0x1  }
0x36: {  	_ =	sfence.sel $0xFFFF  }
0x37: {  	[dreg:$0x0] =	wrdreg $0xFFFFFFFF;
	(pc) =	sbr.abs _section_cstart, $3  }
0x38: {  	[dreg:$0x1] =	wrdreg $0xFFFFFFFF  }
0x39: {  	_ =	task.clear_ibuf [dreg:s7], $0x2FFFF;
	_ =	strace $0x9FFFFFFF  }
0x3a: {  	(tm) =	ssettm $0x7FFFFFFF  }
0x3b: {  	_ =	shalt  }
tec
execute0_lowered:
.L_overlay_start_1:
0x0: {  	(tag) =	ssettag $0x1  }
0x1: {  	s0 =	srdreg.scid  }
0x2: {  	s1 =	sshll.u32 s0, $0x4  }
0x3: {  	s4 =	rddreg [dreg:$0x0];
	s0 =	stileid.u32;
	s1 =	sand.u32 $0x10, s1  }
0x4: {  	s2 =	rddreg [dreg:$0x1];
	s7 =	simm.s32 $0x1;
	s1 =	sor.u32 s0, s1  }
0x5: {  	s8 =	simm.s32 $0x2;
	s11 =	simm.s32 $0x0;
	s3 =	sshll.u32 s1, $0x7  }
0x6: {  	s10 =	simm.s32 $0x0;
	s4 =	sadd.s32 $0x800, s4;
	s6 =	ssub.s32 $0x30D400, s3  }
.Ltmp0:
0x7: {  	s1 =	rddreg [dreg:$0x2];
	s5 =	sand.u32 $0xF80, s6;
	(pc) =	sbr.rel .LBB1_1-.Ltmp0, $4  }
0x8: {  	_ =	strace $0x8000004A;
	s9 =	smov.u32 s3;
	p0 =	sne.s32 s5, $0x0  }
0x9: {  	s6 =	sshrl.u32 s6, $0xC;
	s5 =	simm.s32 $0x1;
	s7 =	simm.s32 @!p0 $0x0  }
0xa: {  	[sflag:s5] =	ssyncpa.u1 $0x0;
	p0 =	por $0x0, $0x0;
	s6 =	sadd.s32 s7, s6  }
0xb: {  	[sflag:s8] =	ssyncpa.u1 $0x0;
	s8 =	simm.s32 $0x186A000;
	s7 =	sadd.s32 $0x1, s6  }
.LBB1_4:
0xc: {  	s14 =	sshll.u32 s11, $0x3  }
0xd: {  	s15 =	sshrl.u32 s14, $0xA  }
0xe: {  	s15 =	smulhi.u32 $0x53E2D7, s15;
	_ =	sdelay $0x1  }
0xf: {  	s15 =	sshrl.u32 s15, $0x2  }
0x10: {  	s28 =	sand.u32 $0x7F, s11;
	s14 =	sand.u32 $0xFFFFFC00, s14;
	s16 =	smul.u32 $0x30D400, s15  }
0x11: {  	[tilespmem:s12+$0xFFFFFFFC ss:$0x81] =	vst.msk $0xffff, v1;
	s11 =	sor.u32 s28, s14;
	s29 =	sand.u32 $0xF, s15  }
0x12: {  	[tilespmem:s12+$0xFFFFFFFD ss:$0x81] =	vst.msk $0xffff, v2;
	s14 =	smul.u32 $0x61A80, s29;
	s11 =	ssub.s32 s11, s16  }
0x13: {  	[tilespmem:s12+$0xFFFFFFFE ss:$0x81] =	vst.msk $0xffff, v0;
	s30 =	sand.u32 $0x7, s11  }
0x14: {  	[tilespmem:s12+$0xFFFFFFFF ss:$0x81] =	vst.msk $0xffff, v4;
	s11 =	sshrl.u32 s11, $0x3;
	s14 =	sadd.s32 s2, s14;
	s15 =	sshll.u32 s30, $0x12  }
0x15: {  	[tilespmem:s12+$0xFFFFFFF9 ss:$0x81] =	vst.msk $0xffff, v3;
	s11 =	sadd.s32 s11, s14;
	s31 =	sor.u32 $0x400, s15  }
0x16: {  	[hbm4b:s11+s31] =	stream.strided.scatter [tilespmem:s13], [sflag:$0x2], $0x800, s8, s31, $0x20;
	[tilespmem:$0x2020] =	vst v63  }
.LBB1_5:
0x17: {  	s13 =	sadd.s32 $0x1000, s9  }
0x18: {  	p2 =	sgt.s32 s13, $0x30D3FF  }
0x19: {  	s13 =	smov.u32 @p2 s3;
	p2 =	sne.s32 s10, s7  }
.Ltmp1:
0x1a: {  	p1 =	slt.u32 s10, $0x2;
	(pc) =	sbr.rel @!p2 .LBB1_6-.Ltmp1, $4  }
0x1b: {  	s12 =	simm.s32 @!p1 $0x2  }
0x1c: {  	s14 =	sadd.s32 $0x1, s10;
	_ =	swait.ge @!p1 [sflag:s12], $0x800  }
0x1d: {  	s11 =	smov.u32 s9;
	p0 =	por !p0, !p0;
	[sflag:s12] =	ssyncset.done @!p1 $0x0  }
0x1e: {  	s10 =	smov.u32 s14;
	s9 =	smov.u32 s13;
	[sflag:s12] =	ssyncadd.s32 @!p1 $0xFFFFF800  }
.LBB1_1:
0x1f: {  	p1 =	sge.u32 s10, s6  }
0x20: {  	s12 =	sand.u32 @!p1 $0x1FFFFFF, s9  }
0x21: {  	s13 =	smulhi.u32 @!p1 $0x14F8B59, s12;
	_ =	sdelay $0x1  }
0x22: {  	s13 =	sshrl.u32 @!p1 s13, $0xE  }
0x23: {  	s13 =	smul.u32 @!p1 $0x30D400, s13;
	_ =	sdelay $0x1  }
0x24: {  	s31 =	sadd.s32 $0xFFFFFFFF, s10;
	s14 =	sxor.u32 @!p1 $0xFFFFFFFF, s10;
	s12 =	ssub.s32 @!p1 s12, s13  }
0x25: {  	s15 =	simm.s32 @!p1 $0x80;
	s14 =	sshll.u32 @!p1 s14, $0xB;
	s12 =	sshll.u32 @!p1 s12, $0x4  }
0x26: {  	s13 =	sand.u32 @!p1 $0x800, s14;
	s14 =	simm.s32 @!p1 $0x10;
	s12 =	sadd.s32 @!p1 s4, s12  }
0x27: {  	[tilespmem:s13], [sflag:$0x1] =	stream.strided.gather @!p1 [hbm4b:s12+s14], $0x800, s15, s14, $0x38;
	[tilespmem:$0x2020] =	vst v63  }
0x28: {  	p1 =	sge.u32 s31, s6  }
.Ltmp2:
0x29: {  	_ = 	snop;
	(pc) =	sbr.rel @p1 .LBB1_5-.Ltmp2, $1  }
0x2a: {  	_ =	sdelay $0x3  }
0x2b: {  	s12 =	simm.s32 $0x1  }
0x2c: {  	_ =	swait.ge [sflag:s5], $0x800;
	s12 =	simm.s32 @!p0 $0x0  }
0x2d: {  	[sflag:s5] =	ssyncset.done $0x0;
	s13 =	sshll.u32 s12, $0xB  }
0x2e: {  	[sflag:s5] =	ssyncadd.s32 $0xFFFFF800;
	s15 =	sor.u32 $0x40, s13  }
0x2f: {  	v3 =	vld [tilespmem:s15+$0x30]  }
0x30: {  	s12 =	smul.u32 $0x2040, s12;
	v4 =	vld [tilespmem:s15+$0xFFFFFFD0]  }
0x31: {  	v5 =	vld [tilespmem:s15+$0xFFFFFFE0]  }
0x32: {  	s31 =	sand.u32 $0x1, s10;
	s12 =	sshrl.u32 s12, $0x2;
	v1 =	vld [tilespmem:s15+$0xFFFFFFF0]  }
0x33: {  	s13 =	smul.u32 $0x2040, s31;
	v2 =	vld [tilespmem:s15+$0x0];
	s12 =	sor.u32 $0x1007, s12  }
0x34: {  	v0 =	vld [tilespmem:s15+$0x10];
	[tilespmem:s12+$0x0 ss:$0x81] =	vst.msk $0xffff, v3  }
0x35: {  	s13 =	sshrl.u32 s13, $0x2;
	[tilespmem:s12+$0xFFFFFFFA ss:$0x81] =	vst.msk $0xffff, v4;
	v4 =	vld [tilespmem:s15+$0x20]  }
0x36: {  	s14 =	simm.s32 $0x0;
	s13 =	sor.u32 $0x1000, s13;
	v3 =	vld [tilespmem:s15+$0xFFFFFFC0];
	[tilespmem:s12+$0xFFFFFFFB ss:$0x81] =	vst.msk $0xffff, v5;
	s15 =	sadd.s32 $0x80, s15  }
.LBB1_3:
0x37: {  	v5 =	vld [tilespmem:s15+$0x30];
	s14 =	sadd.s32 $0x8, s14;
	[tilespmem:s12+$0xFFFFFFFC ss:$0x81] =	vst.msk $0xffff, v1  }
0x38: {  	v6 =	vld [tilespmem:s15+$0xFFFFFFD0];
	p1 =	slt.u32 s14, $0x78;
	[tilespmem:s12+$0xFFFFFFFD ss:$0x81] =	vst.msk $0xffff, v2  }
0x39: {  	v7 =	vld [tilespmem:s15+$0xFFFFFFE0];
	[tilespmem:s12+$0xFFFFFFFE ss:$0x81] =	vst.msk $0xffff, v0  }
.Ltmp3:
0x3a: {  	v1 =	vld [tilespmem:s15+$0xFFFFFFF0];
	[tilespmem:s12+$0xFFFFFFFF ss:$0x81] =	vst.msk $0xffff, v4;
	(pc) =	sbr.rel @p1 .LBB1_3-.Ltmp3, $4  }
0x3b: {  	v2 =	vld [tilespmem:s15+$0x0];
	[tilespmem:s12+$0xFFFFFFF9 ss:$0x81] =	vst.msk $0xffff, v3;
	s12 =	sadd.s32 $0x8, s12  }
0x3c: {  	v0 =	vld [tilespmem:s15+$0x10];
	[tilespmem:s12+$0x0 ss:$0x81] =	vst.msk $0xffff, v5  }
0x3d: {  	[tilespmem:s12+$0xFFFFFFFA ss:$0x81] =	vst.msk $0xffff, v6;
	v4 =	vld [tilespmem:s15+$0x20]  }
0x3e: {  	v3 =	vld [tilespmem:s15+$0xFFFFFFC0];
	[tilespmem:s12+$0xFFFFFFFB ss:$0x81] =	vst.msk $0xffff, v7;
	s15 =	sadd.s32 $0x80, s15  }
.Ltmp4:
0x3f: {  	_ = 	snop;
	(pc) =	sbr.rel .LBB1_4-.Ltmp4, $1  }
0x40: {  	_ =	sdelay $0x3  }
.LBB1_6:
0x41: {  	_ =	sfence.sel $0x180000  }
0x42: {  	s2 =	simm.s32 $0x1;
	[bflag:$0x0] =	sbarrier.arrive $0xFFFF  }
0x43: {  	s31 =	simm.s32 $0x2;
	[sflag:s2] =	ssyncpa.u1 $0x1  }
0x44: {  	[sflag:s31] =	ssyncpa.u1 $0x1  }
0x45: {  	p0 =	sne.s32 s0, $0x0;
	_ =	strace $0x9000004A  }
0x46: {  	s0 =	sadd.s32 @!p0 $0x100000, s1;
	[bflag:$0x2] =	sbarrier.arrive $0xFFFF  }
0x47: {  	[sflag:s0] =	ssyncadd.tile.s32 @!p0 $0x1;
	_ =	shalt  }
.Lfunc_end1:
_tile_overlayer_lowered:
.L_overlay_start_2:
0x48: {  	(tag) =	ssettag $0x2  }
0x49: {  	s0 =	rddreg [dreg:$0x0];
	s2 =	stileid.u32  }
0x4a: {  	s1 =	rddreg [dreg:$0x1];
	p0 =	sne.s32 s2, $0x0  }
0x4b: {  	s3 =	rddreg [dreg:$0x2];
	[bflag:$0x3] =	sbarrier.arrive $0xFFFF;
	s2 =	simm.s32 @!p0 $0x1C01  }
0x4c: {  	[timem:s3], [sflag:s2] =	dma.local @!p0 [hbm:s0], s1  }
0x4d: {  	s0 =	simm.s32 @!p0 $0x1  }
0x4e: {  	_ =	swait.ge @!p0 [sflag:s0], s1  }
0x4f: {  	s1 =	ssub.s32 @!p0 $0x0, s1;
	[sflag:s0] =	ssyncset.done @!p0 $0x0  }
0x50: {  	[sflag:s0] =	ssyncadd.s32 @!p0 s1  }
0x51: {  	[bflag:$0x3] =	sbarrier.arrive $0xFFFF  }
0x52: {  	_ =	shalt  }

</sc_bundles>
